<compile_context>
chip_gen: v7x
topology: tpu7x:2x2x1
jax: 0.10.2.dev20260603
libtpu: 0.0.44.dev20260713+nightly
codegen_flags: <defaults>
</compile_context>

<pallas_src>
import functools

import jax
import jax.numpy as jnp
from jax import lax
from jax.experimental import pallas as pl
from jax.experimental.pallas import tpu as pltpu
from jax.experimental.pallas import tpu_sc as plsc

N = 8388608
NORM = 9.48933
NC = 2
NS = 16
L = 16
NW = NC * NS
CHUNK = 16384
NG = CHUNK // L

N_SC = 3145728
N_TC = N - N_SC
PER_W = max(N_SC // NW, CHUNK)
NCH = PER_W // CHUNK

BLKE = 524288

_mesh = plsc.VectorSubcoreMesh(
    core_axis_name="c", subcore_axis_name="s", num_cores=NC, num_subcores=NS
)


@functools.partial(
    pl.kernel,
    out_type=jax.ShapeDtypeStruct((max(N_SC, 1),), jnp.float32),
    mesh=_mesh,
    scratch_types=[
        pltpu.VMEM((L,), jnp.float32),
        pltpu.VMEM((CHUNK,), jnp.int32),
        pltpu.VMEM((CHUNK,), jnp.int32),
        pltpu.VMEM((CHUNK,), jnp.int32),
        pltpu.VMEM((CHUNK,), jnp.int32),
        pltpu.VMEM((CHUNK,), jnp.int32),
        pltpu.VMEM((CHUNK,), jnp.float32),
        pltpu.VMEM((CHUNK,), jnp.float32),
        pltpu.SemaphoreType.DMA,
        pltpu.SemaphoreType.DMA,
        pltpu.SemaphoreType.DMA,
        pltpu.SemaphoreType.DMA,
        pltpu.SemaphoreType.DMA,
        pltpu.SemaphoreType.DMA,
        pltpu.SemaphoreType.DMA,
    ],
)
def _sc_lookup(an_hbm, table_hbm, out_hbm, table_v, ib0, ib1, ib2, ib3, ib4,
               ob0, ob1, si0, si1, si2, si3, si4, so0, so1):
    wid = lax.axis_index("c") * NS + lax.axis_index("s")
    base = wid * PER_W

    pltpu.sync_copy(table_hbm, table_v)
    tv = table_v[...] * NORM

    ibufs = (ib0, ib1, ib2, ib3, ib4)
    obufs = (ob0, ob1)
    isems = (si0, si1, si2, si3, si4)
    osems = (so0, so1)
    NBI = 5

    def start_in(c, slot):
        return pltpu.async_copy(
            an_hbm.at[pl.ds(N_TC + base + c * CHUNK, CHUNK)],
            ibufs[slot], isems[slot]
        )

    def start_out(c, slot):
        return pltpu.async_copy(
            obufs[slot], out_hbm.at[pl.ds(base + c * CHUNK, CHUNK)], osems[slot]
        )

    in_d = [None] * NBI
    out_d = [None, None]
    for p in range(min(NBI - 1, NCH)):
        in_d[p] = start_in(p, p)
    for c in range(NCH):
        cur = c % NBI
        nxt = c + NBI - 1
        if nxt < NCH:
            in_d[nxt % NBI] = start_in(nxt, nxt % NBI)
        in_d[cur].wait()
        if c >= 2:
            out_d[c & 1].wait()

        ib = ibufs[cur]
        ob = obufs[c & 1]

        @plsc.parallel_loop(0, NG, unroll=8)
        def _(g):
            idx = ib[pl.ds(g * L, L)]
            ob[pl.ds(g * L, L)] = tv.at[idx].get(mode="promise_in_bounds")

        out_d[c & 1] = start_out(c, c & 1)

    out_d[(NCH - 1) & 1].wait()
    if NCH > 1:
        out_d[NCH & 1].wait()


def _tc_body(tab_ref, an_ref, out_ref):
    a = an_ref[...]
    acc = jnp.where(a == 0, tab_ref[0] * NORM, 0.0)
    for i in range(1, 10):
        acc = jnp.where(a == i, tab_ref[i] * NORM, acc)
    out_ref[...] = acc


_tc_lookup = pl.pallas_call(
    _tc_body,
    grid=(N_TC // BLKE if N_TC else 1,),
    in_specs=[
        pl.BlockSpec(memory_space=pltpu.SMEM),
        pl.BlockSpec((BLKE,), lambda i: (i,)),
    ],
    out_specs=pl.BlockSpec((BLKE,), lambda i: (i,)),
    out_shape=jax.ShapeDtypeStruct((N,), jnp.float32),
)


def kernel(atomic_numbers, element_charges):
    table16 = jnp.pad(element_charges.astype(jnp.float32), (0, L - 10))
    full = _tc_lookup(table16, atomic_numbers)
    if N_SC == 0:
        return full
    sc_part = _sc_lookup(atomic_numbers, table16)
    return lax.dynamic_update_slice(full, sc_part, (N_TC,))

# --- scband reference (transcript-rebuilt; emitter-appended) ---
"""Pipeline reference for scband-fixed-charge-13786845021000 (READ-ONLY COPY).

The authoritative reference and input builder live on the scoring server;
editing this copy changes nothing except your own understanding.
"""

import jax, jax.numpy as jnp
import numpy as np

N = 8388608
ELEMENTS = list(range(10))  # charge_dict keys, in insertion order
NORMALIZATION_FACTOR = 9.48933


def setup_inputs(seed: int = 0) -> dict:
    key = jax.random.key(seed)
    k1, k2 = jax.random.split(key)
    atomic_numbers = jax.random.randint(k1, (N,), 0, 10)
    # learned/buffered per-element charges (element_charges in the torch module)
    element_charges = jax.random.normal(k2, (len(ELEMENTS),), dtype=jnp.float32) * 0.5
    return {"atomic_numbers": atomic_numbers, "element_charges": element_charges}


def reference(atomic_numbers, element_charges):
    # Faithful translation of FixedCharge.forward: masked overwrite per element,
    # then normalization. (Equivalent to charge = element_charges[lookup(atomic_number)].)
    charge = jnp.zeros(atomic_numbers.shape[0], dtype=jnp.float32)
    for i, element in enumerate(ELEMENTS):
        mask = atomic_numbers == element
        charge = jnp.where(mask, element_charges[i], charge)
    charge = charge * NORMALIZATION_FACTOR
    return charge

if __name__ == "__main__":
    import jax
    _d = setup_inputs()
    print(jax.jit(kernel)(*tuple(_d.values())))

</pallas_src>

<mosaic_0001>
#map = affine_map<(d0, d1) -> (0)>
module attributes {stable_mosaic.version = 14 : i64} {
  func.func @_sc_lookup(%arg0: i32, %arg1: i32, %arg2: memref<8388608xi32, #tpu.memory_space<hbm>>, %arg3: memref<16xf32, #tpu.memory_space<hbm>>, %arg4: memref<3145728xf32, #tpu.memory_space<hbm>>, %arg5: memref<16xf32, #tpu.memory_space<vmem>>, %arg6: memref<16384xi32, #tpu.memory_space<vmem>>, %arg7: memref<16384xi32, #tpu.memory_space<vmem>>, %arg8: memref<16384xi32, #tpu.memory_space<vmem>>, %arg9: memref<16384xi32, #tpu.memory_space<vmem>>, %arg10: memref<16384xi32, #tpu.memory_space<vmem>>, %arg11: memref<16384xf32, #tpu.memory_space<vmem>>, %arg12: memref<16384xf32, #tpu.memory_space<vmem>>, %arg13: memref<!tpu.dma_semaphore, #tpu.memory_space<semaphore_mem>>, %arg14: memref<!tpu.dma_semaphore, #tpu.memory_space<semaphore_mem>>, %arg15: memref<!tpu.dma_semaphore, #tpu.memory_space<semaphore_mem>>, %arg16: memref<!tpu.dma_semaphore, #tpu.memory_space<semaphore_mem>>, %arg17: memref<!tpu.dma_semaphore, #tpu.memory_space<semaphore_mem>>, %arg18: memref<!tpu.dma_semaphore, #tpu.memory_space<semaphore_mem>>, %arg19: memref<!tpu.dma_semaphore, #tpu.memory_space<semaphore_mem>>) attributes {dimension_semantics = [#tpu.dimension_semantics<core_parallel>, #tpu.dimension_semantics<subcore_parallel>], iteration_bounds = array<i64: 2, 16>, scalar_prefetch = 0 : i64, scratch_operands = 15 : i64, tpu.core_type = #tpu.core_type<sc_vector_subcore>, window_params = [{transform_indices = #map}, {transform_indices = #map}, {transform_indices = #map}]} {
    %mul3A = arith.constant 16 : i32
    %mul3A_0 = arith.muli %arg0, %mul3A : i32
    %add3A = arith.addi %mul3A_0, %arg1 : i32
    %mul3A_1 = arith.constant 98304 : i32
    %mul3A_2 = arith.muli %add3A, %mul3A_1 : i32
    "tpu.region"() ({
      %run_scoped3A = tpu.sem_alloc : memref<!tpu.dma_semaphore, #tpu.memory_space<semaphore_mem>>
      tpu.enqueue_dma source(%arg3 : memref<16xf32, #tpu.memory_space<hbm>>) target(%arg5 : memref<16xf32, #tpu.memory_space<vmem>>) target_semaphore(%run_scoped3A : memref<!tpu.dma_semaphore, #tpu.memory_space<semaphore_mem>>)
      tpu.wait_dma2 semaphore(%run_scoped3A : memref<!tpu.dma_semaphore, #tpu.memory_space<semaphore_mem>>) src(%arg3 : memref<16xf32, #tpu.memory_space<hbm>>) dst(%arg5 : memref<16xf32, #tpu.memory_space<vmem>>)
      tpu.yield
    }) : () -> ()
    %get3A = arith.constant 0 : index
    %get3A_3 = tpu.vector_load %arg5[%get3A] {strides = array<i32>} : memref<16xf32, #tpu.memory_space<vmem>>, vector<16xf32>,
    %get3A_4 = vector.shape_cast %get3A_3 : vector<16xf32> to vector<16xf32>
    %mul3A_5 = arith.constant 9.489330e+00 : f32
    %mul3A_6 = vector.broadcast %mul3A_5 : f32 to vector<16xf32>
    %mul3A_7 = arith.mulf %get3A_4, %mul3A_6 : vector<16xf32>
    %add3A_8 = arith.constant 5242880 : i32
    %add3A_9 = arith.addi %add3A_8, %mul3A_2 : i32
    %add3A_10 = arith.constant 0 : i32
    %add3A_11 = arith.addi %add3A_9, %add3A_10 : i32
    %dma_start3A = tpu.memref_slice %arg2[%add3A_11] : memref<8388608xi32, #tpu.memory_space<hbm>> -> memref<16384xi32, #tpu.memory_space<hbm>>
    %dma_start3A_12 = tpu.memref_slice %arg2[%add3A_11] : memref<8388608xi32, #tpu.memory_space<hbm>> -> memref<16384xi32, #tpu.memory_space<hbm>>
    tpu.enqueue_dma source(%dma_start3A_12 : memref<16384xi32, #tpu.memory_space<hbm>>) target(%arg6 : memref<16384xi32, #tpu.memory_space<vmem>>) target_semaphore(%arg13 : memref<!tpu.dma_semaphore, #tpu.memory_space<semaphore_mem>>)
    %add3A_13 = arith.constant 5242880 : i32
    %add3A_14 = arith.addi %add3A_13, %mul3A_2 : i32
    %add3A_15 = arith.constant 16384 : i32
    %add3A_16 = arith.addi %add3A_14, %add3A_15 : i32
    %dma_start3A_17 = tpu.memref_slice %arg2[%add3A_16] : memref<8388608xi32, #tpu.memory_space<hbm>> -> memref<16384xi32, #tpu.memory_space<hbm>>
    %dma_start3A_18 = tpu.memref_slice %arg2[%add3A_16] : memref<8388608xi32, #tpu.memory_space<hbm>> -> memref<16384xi32, #tpu.memory_space<hbm>>
    tpu.enqueue_dma source(%dma_start3A_18 : memref<16384xi32, #tpu.memory_space<hbm>>) target(%arg7 : memref<16384xi32, #tpu.memory_space<vmem>>) target_semaphore(%arg14 : memref<!tpu.dma_semaphore, #tpu.memory_space<semaphore_mem>>)
    %add3A_19 = arith.constant 5242880 : i32
    %add3A_20 = arith.addi %add3A_19, %mul3A_2 : i32
    %add3A_21 = arith.constant 32768 : i32
    %add3A_22 = arith.addi %add3A_20, %add3A_21 : i32
    %dma_start3A_23 = tpu.memref_slice %arg2[%add3A_22] : memref<8388608xi32, #tpu.memory_space<hbm>> -> memref<16384xi32, #tpu.memory_space<hbm>>
    %dma_start3A_24 = tpu.memref_slice %arg2[%add3A_22] : memref<8388608xi32, #tpu.memory_space<hbm>> -> memref<16384xi32, #tpu.memory_space<hbm>>
    tpu.enqueue_dma source(%dma_start3A_24 : memref<16384xi32, #tpu.memory_space<hbm>>) target(%arg8 : memref<16384xi32, #tpu.memory_space<vmem>>) target_semaphore(%arg15 : memref<!tpu.dma_semaphore, #tpu.memory_space<semaphore_mem>>)
    %add3A_25 = arith.constant 5242880 : i32
    %add3A_26 = arith.addi %add3A_25, %mul3A_2 : i32
    %add3A_27 = arith.constant 49152 : i32
    %add3A_28 = arith.addi %add3A_26, %add3A_27 : i32
    %dma_start3A_29 = tpu.memref_slice %arg2[%add3A_28] : memref<8388608xi32, #tpu.memory_space<hbm>> -> memref<16384xi32, #tpu.memory_space<hbm>>
    %dma_start3A_30 = tpu.memref_slice %arg2[%add3A_28] : memref<8388608xi32, #tpu.memory_space<hbm>> -> memref<16384xi32, #tpu.memory_space<hbm>>
    tpu.enqueue_dma source(%dma_start3A_30 : memref<16384xi32, #tpu.memory_space<hbm>>) target(%arg9 : memref<16384xi32, #tpu.memory_space<vmem>>) target_semaphore(%arg16 : memref<!tpu.dma_semaphore, #tpu.memory_space<semaphore_mem>>)
    %add3A_31 = arith.constant 5242880 : i32
    %add3A_32 = arith.addi %add3A_31, %mul3A_2 : i32
    %add3A_33 = arith.constant 65536 : i32
    %add3A_34 = arith.addi %add3A_32, %add3A_33 : i32
    %dma_start3A_35 = tpu.memref_slice %arg2[%add3A_34] : memref<8388608xi32, #tpu.memory_space<hbm>> -> memref<16384xi32, #tpu.memory_space<hbm>>
    %dma_start3A_36 = tpu.memref_slice %arg2[%add3A_34] : memref<8388608xi32, #tpu.memory_space<hbm>> -> memref<16384xi32, #tpu.memory_space<hbm>>
    tpu.enqueue_dma source(%dma_start3A_36 : memref<16384xi32, #tpu.memory_space<hbm>>) target(%arg10 : memref<16384xi32, #tpu.memory_space<vmem>>) target_semaphore(%arg17 : memref<!tpu.dma_semaphore, #tpu.memory_space<semaphore_mem>>)
    %dma_wait3A = tpu.memref_slice %arg2[%add3A_11] : memref<8388608xi32, #tpu.memory_space<hbm>> -> memref<16384xi32, #tpu.memory_space<hbm>>
    %dma_wait3A_37 = tpu.memref_slice %arg2[%add3A_11] : memref<8388608xi32, #tpu.memory_space<hbm>> -> memref<16384xi32, #tpu.memory_space<hbm>>
    tpu.wait_dma2 semaphore(%arg13 : memref<!tpu.dma_semaphore, #tpu.memory_space<semaphore_mem>>) src(%dma_wait3A_37 : memref<16384xi32, #tpu.memory_space<hbm>>) dst(%arg6 : memref<16384xi32, #tpu.memory_space<vmem>>)
    %parallel_loop3A = arith.constant 0 : i32
    %parallel_loop3A_38 = arith.constant 1024 : i32
    %parallel_loop3A_39 = arith.constant 1 : i32
    scf.for %parallel_loop3A_107 = %parallel_loop3A to %parallel_loop3A_38 step %parallel_loop3A_39  : i32 {
      %parallel_loop3A_108 = arith.constant 16 : i32
      %parallel_loop3A_109 = arith.muli %parallel_loop3A_107, %parallel_loop3A_108 : i32
      %parallel_loop3A_110 = arith.index_cast %parallel_loop3A_109 : i32 to index
      %parallel_loop3A_111 = tpu.vector_load %arg6[%parallel_loop3A_110] {strides = array<i32>} : memref<16384xi32, #tpu.memory_space<vmem>>, vector<16xi32>,
      %parallel_loop3A_112 = vector.shape_cast %parallel_loop3A_111 : vector<16xi32> to vector<16xi32>
      %parallel_loop3A_113 = arith.constant 0 : i32
      %parallel_loop3A_114 = vector.broadcast %parallel_loop3A_113 : i32 to vector<16xi32>
      %parallel_loop3A_115 = arith.cmpi slt, %parallel_loop3A_112, %parallel_loop3A_114 : vector<16xi32>
      %parallel_loop3A_116 = arith.constant 16 : i32
      %parallel_loop3A_117 = vector.broadcast %parallel_loop3A_116 : i32 to vector<16xi32>
      %parallel_loop3A_118 = arith.addi %parallel_loop3A_112, %parallel_loop3A_117 : vector<16xi32>
      %parallel_loop3A_119 = arith.select %parallel_loop3A_115, %parallel_loop3A_118, %parallel_loop3A_112 : vector<16xi1>, vector<16xi32>
      %parallel_loop3A_120 = vector.shape_cast %parallel_loop3A_119 : vector<16xi32> to vector<16x1xi32>
      %parallel_loop3A_121 = vector.shape_cast %parallel_loop3A_120 : vector<16x1xi32> to vector<16xi32>
      %parallel_loop3A_122 = tpu.dynamic_gather %mul3A_7[%parallel_loop3A_121] in [0] : vector<16xf32>, vector<16xi32> -> vector<16xf32>
      %parallel_loop3A_123 = arith.constant 16 : i32
      %parallel_loop3A_124 = arith.muli %parallel_loop3A_107, %parallel_loop3A_123 : i32
      %parallel_loop3A_125 = arith.index_cast %parallel_loop3A_124 : i32 to index
      %parallel_loop3A_126 = tpu.vector_load %arg11[%parallel_loop3A_125] {strides = array<i32>} : memref<16384xf32, #tpu.memory_space<vmem>>, vector<16xf32>,
      %parallel_loop3A_127 = vector.shape_cast %parallel_loop3A_126 : vector<16xf32> to vector<16xf32>
      %parallel_loop3A_128 = vector.shape_cast %parallel_loop3A_122 : vector<16xf32> to vector<16xf32>
      tpu.vector_store %arg11[%parallel_loop3A_125], %parallel_loop3A_128 {strides = array<i32>} : memref<16384xf32, #tpu.memory_space<vmem>>, vector<16xf32>,
    } {sc.loop_unroll_factor = 8 : i64, sc.parallel_access}
    %add3A_40 = arith.constant 0 : i32
    %add3A_41 = arith.addi %mul3A_2, %add3A_40 : i32
    %dma_start3A_42 = tpu.memref_slice %arg4[%add3A_41] : memref<3145728xf32, #tpu.memory_space<hbm>> -> memref<16384xf32, #tpu.memory_space<hbm>>
    %dma_start3A_43 = tpu.memref_slice %arg4[%add3A_41] : memref<3145728xf32, #tpu.memory_space<hbm>> -> memref<16384xf32, #tpu.memory_space<hbm>>
    tpu.enqueue_dma source(%arg11 : memref<16384xf32, #tpu.memory_space<vmem>>) target(%dma_start3A_43 : memref<16384xf32, #tpu.memory_space<hbm>>) target_semaphore(%arg18 : memref<!tpu.dma_semaphore, #tpu.memory_space<semaphore_mem>>)
    %add3A_44 = arith.constant 5242880 : i32
    %add3A_45 = arith.addi %add3A_44, %mul3A_2 : i32
    %add3A_46 = arith.constant 81920 : i32
    %add3A_47 = arith.addi %add3A_45, %add3A_46 : i32
    %dma_start3A_48 = tpu.memref_slice %arg2[%add3A_47] : memref<8388608xi32, #tpu.memory_space<hbm>> -> memref<16384xi32, #tpu.memory_space<hbm>>
    %dma_start3A_49 = tpu.memref_slice %arg2[%add3A_47] : memref<8388608xi32, #tpu.memory_space<hbm>> -> memref<16384xi32, #tpu.memory_space<hbm>>
    tpu.enqueue_dma source(%dma_start3A_49 : memref<16384xi32, #tpu.memory_space<hbm>>) target(%arg6 : memref<16384xi32, #tpu.memory_space<vmem>>) target_semaphore(%arg13 : memref<!tpu.dma_semaphore, #tpu.memory_space<semaphore_mem>>)
    %dma_wait3A_50 = tpu.memref_slice %arg2[%add3A_16] : memref<8388608xi32, #tpu.memory_space<hbm>> -> memref<16384xi32, #tpu.memory_space<hbm>>
    %dma_wait3A_51 = tpu.memref_slice %arg2[%add3A_16] : memref<8388608xi32, #tpu.memory_space<hbm>> -> memref<16384xi32, #tpu.memory_space<hbm>>
    tpu.wait_dma2 semaphore(%arg14 : memref<!tpu.dma_semaphore, #tpu.memory_space<semaphore_mem>>) src(%dma_wait3A_51 : memref<16384xi32, #tpu.memory_space<hbm>>) dst(%arg7 : memref<16384xi32, #tpu.memory_space<vmem>>)
    %parallel_loop3A_52 = arith.constant 0 : i32
    %parallel_loop3A_53 = arith.constant 1024 : i32
    %parallel_loop3A_54 = arith.constant 1 : i32
    scf.for %parallel_loop3A_107 = %parallel_loop3A_52 to %parallel_loop3A_53 step %parallel_loop3A_54  : i32 {
      %parallel_loop3A_108 = arith.constant 16 : i32
      %parallel_loop3A_109 = arith.muli %parallel_loop3A_107, %parallel_loop3A_108 : i32
      %parallel_loop3A_110 = arith.index_cast %parallel_loop3A_109 : i32 to index
      %parallel_loop3A_111 = tpu.vector_load %arg7[%parallel_loop3A_110] {strides = array<i32>} : memref<16384xi32, #tpu.memory_space<vmem>>, vector<16xi32>,
      %parallel_loop3A_112 = vector.shape_cast %parallel_loop3A_111 : vector<16xi32> to vector<16xi32>
      %parallel_loop3A_113 = arith.constant 0 : i32
      %parallel_loop3A_114 = vector.broadcast %parallel_loop3A_113 : i32 to vector<16xi32>
      %parallel_loop3A_115 = arith.cmpi slt, %parallel_loop3A_112, %parallel_loop3A_114 : vector<16xi32>
      %parallel_loop3A_116 = arith.constant 16 : i32
      %parallel_loop3A_117 = vector.broadcast %parallel_loop3A_116 : i32 to vector<16xi32>
      %parallel_loop3A_118 = arith.addi %parallel_loop3A_112, %parallel_loop3A_117 : vector<16xi32>
      %parallel_loop3A_119 = arith.select %parallel_loop3A_115, %parallel_loop3A_118, %parallel_loop3A_112 : vector<16xi1>, vector<16xi32>
      %parallel_loop3A_120 = vector.shape_cast %parallel_loop3A_119 : vector<16xi32> to vector<16x1xi32>
      %parallel_loop3A_121 = vector.shape_cast %parallel_loop3A_120 : vector<16x1xi32> to vector<16xi32>
      %parallel_loop3A_122 = tpu.dynamic_gather %mul3A_7[%parallel_loop3A_121] in [0] : vector<16xf32>, vector<16xi32> -> vector<16xf32>
      %parallel_loop3A_123 = arith.constant 16 : i32
      %parallel_loop3A_124 = arith.muli %parallel_loop3A_107, %parallel_loop3A_123 : i32
      %parallel_loop3A_125 = arith.index_cast %parallel_loop3A_124 : i32 to index
      %parallel_loop3A_126 = tpu.vector_load %arg12[%parallel_loop3A_125] {strides = array<i32>} : memref<16384xf32, #tpu.memory_space<vmem>>, vector<16xf32>,
      %parallel_loop3A_127 = vector.shape_cast %parallel_loop3A_126 : vector<16xf32> to vector<16xf32>
      %parallel_loop3A_128 = vector.shape_cast %parallel_loop3A_122 : vector<16xf32> to vector<16xf32>
      tpu.vector_store %arg12[%parallel_loop3A_125], %parallel_loop3A_128 {strides = array<i32>} : memref<16384xf32, #tpu.memory_space<vmem>>, vector<16xf32>,
    } {sc.loop_unroll_factor = 8 : i64, sc.parallel_access}
    %add3A_55 = arith.constant 16384 : i32
    %add3A_56 = arith.addi %mul3A_2, %add3A_55 : i32
    %dma_start3A_57 = tpu.memref_slice %arg4[%add3A_56] : memref<3145728xf32, #tpu.memory_space<hbm>> -> memref<16384xf32, #tpu.memory_space<hbm>>
    %dma_start3A_58 = tpu.memref_slice %arg4[%add3A_56] : memref<3145728xf32, #tpu.memory_space<hbm>> -> memref<16384xf32, #tpu.memory_space<hbm>>
    tpu.enqueue_dma source(%arg12 : memref<16384xf32, #tpu.memory_space<vmem>>) target(%dma_start3A_58 : memref<16384xf32, #tpu.memory_space<hbm>>) target_semaphore(%arg19 : memref<!tpu.dma_semaphore, #tpu.memory_space<semaphore_mem>>)
    %dma_wait3A_59 = tpu.memref_slice %arg2[%add3A_22] : memref<8388608xi32, #tpu.memory_space<hbm>> -> memref<16384xi32, #tpu.memory_space<hbm>>
    %dma_wait3A_60 = tpu.memref_slice %arg2[%add3A_22] : memref<8388608xi32, #tpu.memory_space<hbm>> -> memref<16384xi32, #tpu.memory_space<hbm>>
    tpu.wait_dma2 semaphore(%arg15 : memref<!tpu.dma_semaphore, #tpu.memory_space<semaphore_mem>>) src(%dma_wait3A_60 : memref<16384xi32, #tpu.memory_space<hbm>>) dst(%arg8 : memref<16384xi32, #tpu.memory_space<vmem>>)
    %dma_wait3A_61 = tpu.memref_slice %arg4[%add3A_41] : memref<3145728xf32, #tpu.memory_space<hbm>> -> memref<16384xf32, #tpu.memory_space<hbm>>
    %dma_wait3A_62 = tpu.memref_slice %arg4[%add3A_41] : memref<3145728xf32, #tpu.memory_space<hbm>> -> memref<16384xf32, #tpu.memory_space<hbm>>
    tpu.wait_dma2 semaphore(%arg18 : memref<!tpu.dma_semaphore, #tpu.memory_space<semaphore_mem>>) src(%arg11 : memref<16384xf32, #tpu.memory_space<vmem>>) dst(%dma_wait3A_62 : memref<16384xf32, #tpu.memory_space<hbm>>)
    %parallel_loop3A_63 = arith.constant 0 : i32
    %parallel_loop3A_64 = arith.constant 1024 : i32
    %parallel_loop3A_65 = arith.constant 1 : i32
    scf.for %parallel_loop3A_107 = %parallel_loop3A_63 to %parallel_loop3A_64 step %parallel_loop3A_65  : i32 {
      %parallel_loop3A_108 = arith.constant 16 : i32
      %parallel_loop3A_109 = arith.muli %parallel_loop3A_107, %parallel_loop3A_108 : i32
      %parallel_loop3A_110 = arith.index_cast %parallel_loop3A_109 : i32 to index
      %parallel_loop3A_111 = tpu.vector_load %arg8[%parallel_loop3A_110] {strides = array<i32>} : memref<16384xi32, #tpu.memory_space<vmem>>, vector<16xi32>,
      %parallel_loop3A_112 = vector.shape_cast %parallel_loop3A_111 : vector<16xi32> to vector<16xi32>
      %parallel_loop3A_113 = arith.constant 0 : i32
      %parallel_loop3A_114 = vector.broadcast %parallel_loop3A_113 : i32 to vector<16xi32>
      %parallel_loop3A_115 = arith.cmpi slt, %parallel_loop3A_112, %parallel_loop3A_114 : vector<16xi32>
      %parallel_loop3A_116 = arith.constant 16 : i32
      %parallel_loop3A_117 = vector.broadcast %parallel_loop3A_116 : i32 to vector<16xi32>
      %parallel_loop3A_118 = arith.addi %parallel_loop3A_112, %parallel_loop3A_117 : vector<16xi32>
      %parallel_loop3A_119 = arith.select %parallel_loop3A_115, %parallel_loop3A_118, %parallel_loop3A_112 : vector<16xi1>, vector<16xi32>
      %parallel_loop3A_120 = vector.shape_cast %parallel_loop3A_119 : vector<16xi32> to vector<16x1xi32>
      %parallel_loop3A_121 = vector.shape_cast %parallel_loop3A_120 : vector<16x1xi32> to vector<16xi32>
      %parallel_loop3A_122 = tpu.dynamic_gather %mul3A_7[%parallel_loop3A_121] in [0] : vector<16xf32>, vector<16xi32> -> vector<16xf32>
      %parallel_loop3A_123 = arith.constant 16 : i32
      %parallel_loop3A_124 = arith.muli %parallel_loop3A_107, %parallel_loop3A_123 : i32
      %parallel_loop3A_125 = arith.index_cast %parallel_loop3A_124 : i32 to index
      %parallel_loop3A_126 = tpu.vector_load %arg11[%parallel_loop3A_125] {strides = array<i32>} : memref<16384xf32, #tpu.memory_space<vmem>>, vector<16xf32>,
      %parallel_loop3A_127 = vector.shape_cast %parallel_loop3A_126 : vector<16xf32> to vector<16xf32>
      %parallel_loop3A_128 = vector.shape_cast %parallel_loop3A_122 : vector<16xf32> to vector<16xf32>
      tpu.vector_store %arg11[%parallel_loop3A_125], %parallel_loop3A_128 {strides = array<i32>} : memref<16384xf32, #tpu.memory_space<vmem>>, vector<16xf32>,
    } {sc.loop_unroll_factor = 8 : i64, sc.parallel_access}
    %add3A_66 = arith.constant 32768 : i32
    %add3A_67 = arith.addi %mul3A_2, %add3A_66 : i32
    %dma_start3A_68 = tpu.memref_slice %arg4[%add3A_67] : memref<3145728xf32, #tpu.memory_space<hbm>> -> memref<16384xf32, #tpu.memory_space<hbm>>
    %dma_start3A_69 = tpu.memref_slice %arg4[%add3A_67] : memref<3145728xf32, #tpu.memory_space<hbm>> -> memref<16384xf32, #tpu.memory_space<hbm>>
    tpu.enqueue_dma source(%arg11 : memref<16384xf32, #tpu.memory_space<vmem>>) target(%dma_start3A_69 : memref<16384xf32, #tpu.memory_space<hbm>>) target_semaphore(%arg18 : memref<!tpu.dma_semaphore, #tpu.memory_space<semaphore_mem>>)
    %dma_wait3A_70 = tpu.memref_slice %arg2[%add3A_28] : memref<8388608xi32, #tpu.memory_space<hbm>> -> memref<16384xi32, #tpu.memory_space<hbm>>
    %dma_wait3A_71 = tpu.memref_slice %arg2[%add3A_28] : memref<8388608xi32, #tpu.memory_space<hbm>> -> memref<16384xi32, #tpu.memory_space<hbm>>
    tpu.wait_dma2 semaphore(%arg16 : memref<!tpu.dma_semaphore, #tpu.memory_space<semaphore_mem>>) src(%dma_wait3A_71 : memref<16384xi32, #tpu.memory_space<hbm>>) dst(%arg9 : memref<16384xi32, #tpu.memory_space<vmem>>)
    %dma_wait3A_72 = tpu.memref_slice %arg4[%add3A_56] : memref<3145728xf32, #tpu.memory_space<hbm>> -> memref<16384xf32, #tpu.memory_space<hbm>>
    %dma_wait3A_73 = tpu.memref_slice %arg4[%add3A_56] : memref<3145728xf32, #tpu.memory_space<hbm>> -> memref<16384xf32, #tpu.memory_space<hbm>>
    tpu.wait_dma2 semaphore(%arg19 : memref<!tpu.dma_semaphore, #tpu.memory_space<semaphore_mem>>) src(%arg12 : memref<16384xf32, #tpu.memory_space<vmem>>) dst(%dma_wait3A_73 : memref<16384xf32, #tpu.memory_space<hbm>>)
    %parallel_loop3A_74 = arith.constant 0 : i32
    %parallel_loop3A_75 = arith.constant 1024 : i32
    %parallel_loop3A_76 = arith.constant 1 : i32
    scf.for %parallel_loop3A_107 = %parallel_loop3A_74 to %parallel_loop3A_75 step %parallel_loop3A_76  : i32 {
      %parallel_loop3A_108 = arith.constant 16 : i32
      %parallel_loop3A_109 = arith.muli %parallel_loop3A_107, %parallel_loop3A_108 : i32
      %parallel_loop3A_110 = arith.index_cast %parallel_loop3A_109 : i32 to index
      %parallel_loop3A_111 = tpu.vector_load %arg9[%parallel_loop3A_110] {strides = array<i32>} : memref<16384xi32, #tpu.memory_space<vmem>>, vector<16xi32>,
      %parallel_loop3A_112 = vector.shape_cast %parallel_loop3A_111 : vector<16xi32> to vector<16xi32>
      %parallel_loop3A_113 = arith.constant 0 : i32
      %parallel_loop3A_114 = vector.broadcast %parallel_loop3A_113 : i32 to vector<16xi32>
      %parallel_loop3A_115 = arith.cmpi slt, %parallel_loop3A_112, %parallel_loop3A_114 : vector<16xi32>
      %parallel_loop3A_116 = arith.constant 16 : i32
      %parallel_loop3A_117 = vector.broadcast %parallel_loop3A_116 : i32 to vector<16xi32>
      %parallel_loop3A_118 = arith.addi %parallel_loop3A_112, %parallel_loop3A_117 : vector<16xi32>
      %parallel_loop3A_119 = arith.select %parallel_loop3A_115, %parallel_loop3A_118, %parallel_loop3A_112 : vector<16xi1>, vector<16xi32>
      %parallel_loop3A_120 = vector.shape_cast %parallel_loop3A_119 : vector<16xi32> to vector<16x1xi32>
      %parallel_loop3A_121 = vector.shape_cast %parallel_loop3A_120 : vector<16x1xi32> to vector<16xi32>
      %parallel_loop3A_122 = tpu.dynamic_gather %mul3A_7[%parallel_loop3A_121] in [0] : vector<16xf32>, vector<16xi32> -> vector<16xf32>
      %parallel_loop3A_123 = arith.constant 16 : i32
      %parallel_loop3A_124 = arith.muli %parallel_loop3A_107, %parallel_loop3A_123 : i32
      %parallel_loop3A_125 = arith.index_cast %parallel_loop3A_124 : i32 to index
      %parallel_loop3A_126 = tpu.vector_load %arg12[%parallel_loop3A_125] {strides = array<i32>} : memref<16384xf32, #tpu.memory_space<vmem>>, vector<16xf32>,
      %parallel_loop3A_127 = vector.shape_cast %parallel_loop3A_126 : vector<16xf32> to vector<16xf32>
      %parallel_loop3A_128 = vector.shape_cast %parallel_loop3A_122 : vector<16xf32> to vector<16xf32>
      tpu.vector_store %arg12[%parallel_loop3A_125], %parallel_loop3A_128 {strides = array<i32>} : memref<16384xf32, #tpu.memory_space<vmem>>, vector<16xf32>,
    } {sc.loop_unroll_factor = 8 : i64, sc.parallel_access}
    %add3A_77 = arith.constant 49152 : i32
    %add3A_78 = arith.addi %mul3A_2, %add3A_77 : i32
    %dma_start3A_79 = tpu.memref_slice %arg4[%add3A_78] : memref<3145728xf32, #tpu.memory_space<hbm>> -> memref<16384xf32, #tpu.memory_space<hbm>>
    %dma_start3A_80 = tpu.memref_slice %arg4[%add3A_78] : memref<3145728xf32, #tpu.memory_space<hbm>> -> memref<16384xf32, #tpu.memory_space<hbm>>
    tpu.enqueue_dma source(%arg12 : memref<16384xf32, #tpu.memory_space<vmem>>) target(%dma_start3A_80 : memref<16384xf32, #tpu.memory_space<hbm>>) target_semaphore(%arg19 : memref<!tpu.dma_semaphore, #tpu.memory_space<semaphore_mem>>)
    %dma_wait3A_81 = tpu.memref_slice %arg2[%add3A_34] : memref<8388608xi32, #tpu.memory_space<hbm>> -> memref<16384xi32, #tpu.memory_space<hbm>>
    %dma_wait3A_82 = tpu.memref_slice %arg2[%add3A_34] : memref<8388608xi32, #tpu.memory_space<hbm>> -> memref<16384xi32, #tpu.memory_space<hbm>>
    tpu.wait_dma2 semaphore(%arg17 : memref<!tpu.dma_semaphore, #tpu.memory_space<semaphore_mem>>) src(%dma_wait3A_82 : memref<16384xi32, #tpu.memory_space<hbm>>) dst(%arg10 : memref<16384xi32, #tpu.memory_space<vmem>>)
    %dma_wait3A_83 = tpu.memref_slice %arg4[%add3A_67] : memref<3145728xf32, #tpu.memory_space<hbm>> -> memref<16384xf32, #tpu.memory_space<hbm>>
    %dma_wait3A_84 = tpu.memref_slice %arg4[%add3A_67] : memref<3145728xf32, #tpu.memory_space<hbm>> -> memref<16384xf32, #tpu.memory_space<hbm>>
    tpu.wait_dma2 semaphore(%arg18 : memref<!tpu.dma_semaphore, #tpu.memory_space<semaphore_mem>>) src(%arg11 : memref<16384xf32, #tpu.memory_space<vmem>>) dst(%dma_wait3A_84 : memref<16384xf32, #tpu.memory_space<hbm>>)
    %parallel_loop3A_85 = arith.constant 0 : i32
    %parallel_loop3A_86 = arith.constant 1024 : i32
    %parallel_loop3A_87 = arith.constant 1 : i32
    scf.for %parallel_loop3A_107 = %parallel_loop3A_85 to %parallel_loop3A_86 step %parallel_loop3A_87  : i32 {
      %parallel_loop3A_108 = arith.constant 16 : i32
      %parallel_loop3A_109 = arith.muli %parallel_loop3A_107, %parallel_loop3A_108 : i32
      %parallel_loop3A_110 = arith.index_cast %parallel_loop3A_109 : i32 to index
      %parallel_loop3A_111 = tpu.vector_load %arg10[%parallel_loop3A_110] {strides = array<i32>} : memref<16384xi32, #tpu.memory_space<vmem>>, vector<16xi32>,
      %parallel_loop3A_112 = vector.shape_cast %parallel_loop3A_111 : vector<16xi32> to vector<16xi32>
      %parallel_loop3A_113 = arith.constant 0 : i32
      %parallel_loop3A_114 = vector.broadcast %parallel_loop3A_113 : i32 to vector<16xi32>
      %parallel_loop3A_115 = arith.cmpi slt, %parallel_loop3A_112, %parallel_loop3A_114 : vector<16xi32>
      %parallel_loop3A_116 = arith.constant 16 : i32
      %parallel_loop3A_117 = vector.broadcast %parallel_loop3A_116 : i32 to vector<16xi32>
      %parallel_loop3A_118 = arith.addi %parallel_loop3A_112, %parallel_loop3A_117 : vector<16xi32>
      %parallel_loop3A_119 = arith.select %parallel_loop3A_115, %parallel_loop3A_118, %parallel_loop3A_112 : vector<16xi1>, vector<16xi32>
      %parallel_loop3A_120 = vector.shape_cast %parallel_loop3A_119 : vector<16xi32> to vector<16x1xi32>
      %parallel_loop3A_121 = vector.shape_cast %parallel_loop3A_120 : vector<16x1xi32> to vector<16xi32>
      %parallel_loop3A_122 = tpu.dynamic_gather %mul3A_7[%parallel_loop3A_121] in [0] : vector<16xf32>, vector<16xi32> -> vector<16xf32>
      %parallel_loop3A_123 = arith.constant 16 : i32
      %parallel_loop3A_124 = arith.muli %parallel_loop3A_107, %parallel_loop3A_123 : i32
      %parallel_loop3A_125 = arith.index_cast %parallel_loop3A_124 : i32 to index
      %parallel_loop3A_126 = tpu.vector_load %arg11[%parallel_loop3A_125] {strides = array<i32>} : memref<16384xf32, #tpu.memory_space<vmem>>, vector<16xf32>,
      %parallel_loop3A_127 = vector.shape_cast %parallel_loop3A_126 : vector<16xf32> to vector<16xf32>
      %parallel_loop3A_128 = vector.shape_cast %parallel_loop3A_122 : vector<16xf32> to vector<16xf32>
      tpu.vector_store %arg11[%parallel_loop3A_125], %parallel_loop3A_128 {strides = array<i32>} : memref<16384xf32, #tpu.memory_space<vmem>>, vector<16xf32>,
    } {sc.loop_unroll_factor = 8 : i64, sc.parallel_access}
    %add3A_88 = arith.constant 65536 : i32
    %add3A_89 = arith.addi %mul3A_2, %add3A_88 : i32
    %dma_start3A_90 = tpu.memref_slice %arg4[%add3A_89] : memref<3145728xf32, #tpu.memory_space<hbm>> -> memref<16384xf32, #tpu.memory_space<hbm>>
    %dma_start3A_91 = tpu.memref_slice %arg4[%add3A_89] : memref<3145728xf32, #tpu.memory_space<hbm>> -> memref<16384xf32, #tpu.memory_space<hbm>>
    tpu.enqueue_dma source(%arg11 : memref<16384xf32, #tpu.memory_space<vmem>>) target(%dma_start3A_91 : memref<16384xf32, #tpu.memory_space<hbm>>) target_semaphore(%arg18 : memref<!tpu.dma_semaphore, #tpu.memory_space<semaphore_mem>>)
    %dma_wait3A_92 = tpu.memref_slice %arg2[%add3A_47] : memref<8388608xi32, #tpu.memory_space<hbm>> -> memref<16384xi32, #tpu.memory_space<hbm>>
    %dma_wait3A_93 = tpu.memref_slice %arg2[%add3A_47] : memref<8388608xi32, #tpu.memory_space<hbm>> -> memref<16384xi32, #tpu.memory_space<hbm>>
    tpu.wait_dma2 semaphore(%arg13 : memref<!tpu.dma_semaphore, #tpu.memory_space<semaphore_mem>>) src(%dma_wait3A_93 : memref<16384xi32, #tpu.memory_space<hbm>>) dst(%arg6 : memref<16384xi32, #tpu.memory_space<vmem>>)
    %dma_wait3A_94 = tpu.memref_slice %arg4[%add3A_78] : memref<3145728xf32, #tpu.memory_space<hbm>> -> memref<16384xf32, #tpu.memory_space<hbm>>
    %dma_wait3A_95 = tpu.memref_slice %arg4[%add3A_78] : memref<3145728xf32, #tpu.memory_space<hbm>> -> memref<16384xf32, #tpu.memory_space<hbm>>
    tpu.wait_dma2 semaphore(%arg19 : memref<!tpu.dma_semaphore, #tpu.memory_space<semaphore_mem>>) src(%arg12 : memref<16384xf32, #tpu.memory_space<vmem>>) dst(%dma_wait3A_95 : memref<16384xf32, #tpu.memory_space<hbm>>)
    %parallel_loop3A_96 = arith.constant 0 : i32
    %parallel_loop3A_97 = arith.constant 1024 : i32
    %parallel_loop3A_98 = arith.constant 1 : i32
    scf.for %parallel_loop3A_107 = %parallel_loop3A_96 to %parallel_loop3A_97 step %parallel_loop3A_98  : i32 {
      %parallel_loop3A_108 = arith.constant 16 : i32
      %parallel_loop3A_109 = arith.muli %parallel_loop3A_107, %parallel_loop3A_108 : i32
      %parallel_loop3A_110 = arith.index_cast %parallel_loop3A_109 : i32 to index
      %parallel_loop3A_111 = tpu.vector_load %arg6[%parallel_loop3A_110] {strides = array<i32>} : memref<16384xi32, #tpu.memory_space<vmem>>, vector<16xi32>,
      %parallel_loop3A_112 = vector.shape_cast %parallel_loop3A_111 : vector<16xi32> to vector<16xi32>
      %parallel_loop3A_113 = arith.constant 0 : i32
      %parallel_loop3A_114 = vector.broadcast %parallel_loop3A_113 : i32 to vector<16xi32>
      %parallel_loop3A_115 = arith.cmpi slt, %parallel_loop3A_112, %parallel_loop3A_114 : vector<16xi32>
      %parallel_loop3A_116 = arith.constant 16 : i32
      %parallel_loop3A_117 = vector.broadcast %parallel_loop3A_116 : i32 to vector<16xi32>
      %parallel_loop3A_118 = arith.addi %parallel_loop3A_112, %parallel_loop3A_117 : vector<16xi32>
      %parallel_loop3A_119 = arith.select %parallel_loop3A_115, %parallel_loop3A_118, %parallel_loop3A_112 : vector<16xi1>, vector<16xi32>
      %parallel_loop3A_120 = vector.shape_cast %parallel_loop3A_119 : vector<16xi32> to vector<16x1xi32>
      %parallel_loop3A_121 = vector.shape_cast %parallel_loop3A_120 : vector<16x1xi32> to vector<16xi32>
      %parallel_loop3A_122 = tpu.dynamic_gather %mul3A_7[%parallel_loop3A_121] in [0] : vector<16xf32>, vector<16xi32> -> vector<16xf32>
      %parallel_loop3A_123 = arith.constant 16 : i32
      %parallel_loop3A_124 = arith.muli %parallel_loop3A_107, %parallel_loop3A_123 : i32
      %parallel_loop3A_125 = arith.index_cast %parallel_loop3A_124 : i32 to index
      %parallel_loop3A_126 = tpu.vector_load %arg12[%parallel_loop3A_125] {strides = array<i32>} : memref<16384xf32, #tpu.memory_space<vmem>>, vector<16xf32>,
      %parallel_loop3A_127 = vector.shape_cast %parallel_loop3A_126 : vector<16xf32> to vector<16xf32>
      %parallel_loop3A_128 = vector.shape_cast %parallel_loop3A_122 : vector<16xf32> to vector<16xf32>
      tpu.vector_store %arg12[%parallel_loop3A_125], %parallel_loop3A_128 {strides = array<i32>} : memref<16384xf32, #tpu.memory_space<vmem>>, vector<16xf32>,
    } {sc.loop_unroll_factor = 8 : i64, sc.parallel_access}
    %add3A_99 = arith.constant 81920 : i32
    %add3A_100 = arith.addi %mul3A_2, %add3A_99 : i32
    %dma_start3A_101 = tpu.memref_slice %arg4[%add3A_100] : memref<3145728xf32, #tpu.memory_space<hbm>> -> memref<16384xf32, #tpu.memory_space<hbm>>
    %dma_start3A_102 = tpu.memref_slice %arg4[%add3A_100] : memref<3145728xf32, #tpu.memory_space<hbm>> -> memref<16384xf32, #tpu.memory_space<hbm>>
    tpu.enqueue_dma source(%arg12 : memref<16384xf32, #tpu.memory_space<vmem>>) target(%dma_start3A_102 : memref<16384xf32, #tpu.memory_space<hbm>>) target_semaphore(%arg19 : memref<!tpu.dma_semaphore, #tpu.memory_space<semaphore_mem>>)
    %dma_wait3A_103 = tpu.memref_slice %arg4[%add3A_100] : memref<3145728xf32, #tpu.memory_space<hbm>> -> memref<16384xf32, #tpu.memory_space<hbm>>
    %dma_wait3A_104 = tpu.memref_slice %arg4[%add3A_100] : memref<3145728xf32, #tpu.memory_space<hbm>> -> memref<16384xf32, #tpu.memory_space<hbm>>
    tpu.wait_dma2 semaphore(%arg19 : memref<!tpu.dma_semaphore, #tpu.memory_space<semaphore_mem>>) src(%arg12 : memref<16384xf32, #tpu.memory_space<vmem>>) dst(%dma_wait3A_104 : memref<16384xf32, #tpu.memory_space<hbm>>)
    %dma_wait3A_105 = tpu.memref_slice %arg4[%add3A_89] : memref<3145728xf32, #tpu.memory_space<hbm>> -> memref<16384xf32, #tpu.memory_space<hbm>>
    %dma_wait3A_106 = tpu.memref_slice %arg4[%add3A_89] : memref<3145728xf32, #tpu.memory_space<hbm>> -> memref<16384xf32, #tpu.memory_space<hbm>>
    tpu.wait_dma2 semaphore(%arg18 : memref<!tpu.dma_semaphore, #tpu.memory_space<semaphore_mem>>) src(%arg11 : memref<16384xf32, #tpu.memory_space<vmem>>) dst(%dma_wait3A_106 : memref<16384xf32, #tpu.memory_space<hbm>>)
    return
  }
}

module attributes {stable_mosaic.version = 14 : i64} {
  func.func @_tc_body(%arg0: i32, %arg1: memref<16xf32, #tpu.memory_space<smem>>, %arg2: memref<524288xi32, #tpu.memory_space<vmem>>, %arg3: memref<524288xf32, #tpu.memory_space<vmem>>) attributes {dimension_semantics = [#tpu.dimension_semantics<arbitrary>], iteration_bounds = array<i64: 10>, scalar_prefetch = 0 : i64, scratch_operands = 0 : i64, tpu.core_type = #tpu.core_type<tc>, window_params = [{transform_indices = @transform_0, window_bounds = array<i64: 16>}, {transform_indices = @transform_1, window_bounds = array<i64: 524288>}, {transform_indices = @transform_2, window_bounds = array<i64: 524288>}]} {
    %get3A = arith.constant 0 : index
    %get3A_0 = vector.load %arg2[%get3A] : memref<524288xi32, #tpu.memory_space<vmem>>, vector<524288xi32>
    %eq3A = arith.constant 0 : i32
    %eq3A_1 = vector.broadcast %eq3A : i32 to vector<524288xi32>
    %eq3A_2 = arith.cmpi eq, %get3A_0, %eq3A_1 : vector<524288xi32>
    %get3A_3 = arith.constant 0 : index
    %get3A_4 = memref.load %arg1[%get3A_3] : memref<16xf32, #tpu.memory_space<smem>>
    %mul3A = arith.constant 9.489330e+00 : f32
    %mul3A_5 = arith.mulf %get3A_4, %mul3A : f32
    %jit3A = arith.constant 0.000000e+00 : f32
    %broadcast_in_dim3A = vector.broadcast %mul3A_5 : f32 to vector<524288xf32>
    %broadcast_in_dim3A_6 = vector.broadcast %jit3A : f32 to vector<524288xf32>
    %select_n3A = arith.select %eq3A_2, %broadcast_in_dim3A, %broadcast_in_dim3A_6 : vector<524288xi1>, vector<524288xf32>
    %eq3A_7 = arith.constant 1 : i32
    %eq3A_8 = vector.broadcast %eq3A_7 : i32 to vector<524288xi32>
    %eq3A_9 = arith.cmpi eq, %get3A_0, %eq3A_8 : vector<524288xi32>
    %get3A_10 = arith.constant 1 : index
    %get3A_11 = memref.load %arg1[%get3A_10] : memref<16xf32, #tpu.memory_space<smem>>
    %mul3A_12 = arith.constant 9.489330e+00 : f32
    %mul3A_13 = arith.mulf %get3A_11, %mul3A_12 : f32
    %broadcast_in_dim3A_14 = vector.broadcast %mul3A_13 : f32 to vector<524288xf32>
    %select_n3A_15 = arith.select %eq3A_9, %broadcast_in_dim3A_14, %select_n3A : vector<524288xi1>, vector<524288xf32>
    %eq3A_16 = arith.constant 2 : i32
    %eq3A_17 = vector.broadcast %eq3A_16 : i32 to vector<524288xi32>
    %eq3A_18 = arith.cmpi eq, %get3A_0, %eq3A_17 : vector<524288xi32>
    %get3A_19 = arith.constant 2 : index
    %get3A_20 = memref.load %arg1[%get3A_19] : memref<16xf32, #tpu.memory_space<smem>>
    %mul3A_21 = arith.constant 9.489330e+00 : f32
    %mul3A_22 = arith.mulf %get3A_20, %mul3A_21 : f32
    %broadcast_in_dim3A_23 = vector.broadcast %mul3A_22 : f32 to vector<524288xf32>
    %select_n3A_24 = arith.select %eq3A_18, %broadcast_in_dim3A_23, %select_n3A_15 : vector<524288xi1>, vector<524288xf32>
    %eq3A_25 = arith.constant 3 : i32
    %eq3A_26 = vector.broadcast %eq3A_25 : i32 to vector<524288xi32>
    %eq3A_27 = arith.cmpi eq, %get3A_0, %eq3A_26 : vector<524288xi32>
    %get3A_28 = arith.constant 3 : index
    %get3A_29 = memref.load %arg1[%get3A_28] : memref<16xf32, #tpu.memory_space<smem>>
    %mul3A_30 = arith.constant 9.489330e+00 : f32
    %mul3A_31 = arith.mulf %get3A_29, %mul3A_30 : f32
    %broadcast_in_dim3A_32 = vector.broadcast %mul3A_31 : f32 to vector<524288xf32>
    %select_n3A_33 = arith.select %eq3A_27, %broadcast_in_dim3A_32, %select_n3A_24 : vector<524288xi1>, vector<524288xf32>
    %eq3A_34 = arith.constant 4 : i32
    %eq3A_35 = vector.broadcast %eq3A_34 : i32 to vector<524288xi32>
    %eq3A_36 = arith.cmpi eq, %get3A_0, %eq3A_35 : vector<524288xi32>
    %get3A_37 = arith.constant 4 : index
    %get3A_38 = memref.load %arg1[%get3A_37] : memref<16xf32, #tpu.memory_space<smem>>
    %mul3A_39 = arith.constant 9.489330e+00 : f32
    %mul3A_40 = arith.mulf %get3A_38, %mul3A_39 : f32
    %broadcast_in_dim3A_41 = vector.broadcast %mul3A_40 : f32 to vector<524288xf32>
    %select_n3A_42 = arith.select %eq3A_36, %broadcast_in_dim3A_41, %select_n3A_33 : vector<524288xi1>, vector<524288xf32>
    %eq3A_43 = arith.constant 5 : i32
    %eq3A_44 = vector.broadcast %eq3A_43 : i32 to vector<524288xi32>
    %eq3A_45 = arith.cmpi eq, %get3A_0, %eq3A_44 : vector<524288xi32>
    %get3A_46 = arith.constant 5 : index
    %get3A_47 = memref.load %arg1[%get3A_46] : memref<16xf32, #tpu.memory_space<smem>>
    %mul3A_48 = arith.constant 9.489330e+00 : f32
    %mul3A_49 = arith.mulf %get3A_47, %mul3A_48 : f32
    %broadcast_in_dim3A_50 = vector.broadcast %mul3A_49 : f32 to vector<524288xf32>
    %select_n3A_51 = arith.select %eq3A_45, %broadcast_in_dim3A_50, %select_n3A_42 : vector<524288xi1>, vector<524288xf32>
    %eq3A_52 = arith.constant 6 : i32
    %eq3A_53 = vector.broadcast %eq3A_52 : i32 to vector<524288xi32>
    %eq3A_54 = arith.cmpi eq, %get3A_0, %eq3A_53 : vector<524288xi32>
    %get3A_55 = arith.constant 6 : index
    %get3A_56 = memref.load %arg1[%get3A_55] : memref<16xf32, #tpu.memory_space<smem>>
    %mul3A_57 = arith.constant 9.489330e+00 : f32
    %mul3A_58 = arith.mulf %get3A_56, %mul3A_57 : f32
    %broadcast_in_dim3A_59 = vector.broadcast %mul3A_58 : f32 to vector<524288xf32>
    %select_n3A_60 = arith.select %eq3A_54, %broadcast_in_dim3A_59, %select_n3A_51 : vector<524288xi1>, vector<524288xf32>
    %eq3A_61 = arith.constant 7 : i32
    %eq3A_62 = vector.broadcast %eq3A_61 : i32 to vector<524288xi32>
    %eq3A_63 = arith.cmpi eq, %get3A_0, %eq3A_62 : vector<524288xi32>
    %get3A_64 = arith.constant 7 : index
    %get3A_65 = memref.load %arg1[%get3A_64] : memref<16xf32, #tpu.memory_space<smem>>
    %mul3A_66 = arith.constant 9.489330e+00 : f32
    %mul3A_67 = arith.mulf %get3A_65, %mul3A_66 : f32
    %broadcast_in_dim3A_68 = vector.broadcast %mul3A_67 : f32 to vector<524288xf32>
    %select_n3A_69 = arith.select %eq3A_63, %broadcast_in_dim3A_68, %select_n3A_60 : vector<524288xi1>, vector<524288xf32>
    %eq3A_70 = arith.constant 8 : i32
    %eq3A_71 = vector.broadcast %eq3A_70 : i32 to vector<524288xi32>
    %eq3A_72 = arith.cmpi eq, %get3A_0, %eq3A_71 : vector<524288xi32>
    %get3A_73 = arith.constant 8 : index
    %get3A_74 = memref.load %arg1[%get3A_73] : memref<16xf32, #tpu.memory_space<smem>>
    %mul3A_75 = arith.constant 9.489330e+00 : f32
    %mul3A_76 = arith.mulf %get3A_74, %mul3A_75 : f32
    %broadcast_in_dim3A_77 = vector.broadcast %mul3A_76 : f32 to vector<524288xf32>
    %select_n3A_78 = arith.select %eq3A_72, %broadcast_in_dim3A_77, %select_n3A_69 : vector<524288xi1>, vector<524288xf32>
    %eq3A_79 = arith.constant 9 : i32
    %eq3A_80 = vector.broadcast %eq3A_79 : i32 to vector<524288xi32>
    %eq3A_81 = arith.cmpi eq, %get3A_0, %eq3A_80 : vector<524288xi32>
    %get3A_82 = arith.constant 9 : index
    %get3A_83 = memref.load %arg1[%get3A_82] : memref<16xf32, #tpu.memory_space<smem>>
    %mul3A_84 = arith.constant 9.489330e+00 : f32
    %mul3A_85 = arith.mulf %get3A_83, %mul3A_84 : f32
    %broadcast_in_dim3A_86 = vector.broadcast %mul3A_85 : f32 to vector<524288xf32>
    %select_n3A_87 = arith.select %eq3A_81, %broadcast_in_dim3A_86, %select_n3A_78 : vector<524288xi1>, vector<524288xf32>
    %swap3A = arith.constant 0 : index
    %swap3A_88 = vector.load %arg3[%swap3A] : memref<524288xf32, #tpu.memory_space<vmem>>, vector<524288xf32>
    tpu.vector_store %arg3[%swap3A], %select_n3A_87 {strides = array<i32>} : memref<524288xf32, #tpu.memory_space<vmem>>, vector<524288xf32>,
    return
  }
  func.func @transform_0(%arg0: i32) -> i32 {
    %c0_i32 = arith.constant 0 : i32
    %c0_i32_0 = arith.constant 0 : i32
    return %c0_i32 : i32
  }
  func.func @transform_1(%arg0: i32) -> i32 {
    %c0_i32 = arith.constant 0 : i32
    return %arg0 : i32
  }
  func.func @transform_2(%arg0: i32) -> i32 {
    %c0_i32 = arith.constant 0 : i32
    return %arg0 : i32
  }
}

</mosaic_0001>

<sc_bundles>
// kernel: kernel.4.cloned.1.call-start
scs
__scs_entry_jumppad:
0x0: {  	(pc) =	sbr.rel $0x88, $3  }
0x1: {  	(tag) =	ssettag $0x0;
	lr =	simm.s32 $0x1  }
0x2: {  	[smem:$0x3F9F] =	sst lr;
	_ =	strace $0xD0000000  }
0x3: {  	_ = 	snop  }
0x4: {  	_ = 	snop  }
0x5: {  	_ = 	snop  }
0x6: {  	_ = 	snop  }
0x7: {  	_ = 	snop  }
__scs_overlays_trampoline_lowered:
0x8: {  	[smem:$0x3FAE] =	sst s0  }
0x9: {  	[smem:$0x3FAF] =	sst s1  }
0xa: {  	[smem:$0x3FB0] =	sst s2  }
0xb: {  	[smem:$0x3FB1] =	sst s3  }
0xc: {  	[smem:$0x3FB2] =	sst s4  }
0xd: {  	[smem:$0x3FB3] =	sst s5  }
0xe: {  	[smem:$0x3FB4] =	sst s6  }
0xf: {  	[smem:$0x3FB5] =	sst s7  }
0x10: {  	[smem:$0x3FB6] =	sst s8  }
0x11: {  	[smem:$0x3FB7] =	sst s9;
	s0 =	simm.s32 @!p0 $0x0  }
0x12: {  	s1 =	sld [smem:$0x3F9D];
	s0 =	simm.s32 @p0 $0x1  }
0x13: {  	[smem:$0x3FB8] =	sst s0;
	s0 =	simm.s32 @!p1 $0x0  }
0x14: {  	s2 =	sld [smem:$0x3F9C];
	s0 =	simm.s32 @p1 $0x1  }
0x15: {  	[smem:$0x3FB9] =	sst s0;
	s0 =	simm.s32 @!p2 $0x0  }
0x16: {  	s3 =	sld [smem:$0x3FDB];
	s0 =	simm.s32 @p2 $0x1  }
0x17: {  	s4 =	simm.s32 $0x1BF5;
	[smem:$0x3FBB] =	sst s0  }
0x18: {  	s0 =	sld [smem:$0x3F9E];
	_ =	swait.ge [sflag:s4], $0x0  }
0x19: {  	s7 =	sld [smem:$0x3F9F]  }
0x1a: {  	s8 =	sadd.s32 $0xFFFFE003, lr  }
0x1b: {  	s9 =	sadd.s32 $0xFFFFFEF7, lr;
	s5 =	simm.s32 $0xFFFFFFFF;
	p2 =	slt.u32 s8, $0xFFFFF086  }
0x1c: {  	p1 =	slt.u32 s9, $0xF7A;
	s5 =	simm.s32 @!p2 $0x0  }
0x1d: {  	s5 =	simm.s32 @p1 $0x1;
	p0 =	seq.s32 s7, s2  }
0x1e: {  	s7 =	smul.u32 @!p0 $0xF7A, s2;
	p2 =	seq.s32 @!p0 s5, $0x0  }
0x1f: {  	s9 =	smul.u32 $0xF7A, s1;
	s8 =	simm.s32 @!p0 $0x1BF5;
	p2 =	por !p2, p0  }
0x20: {  	[sflag:s8] =	ssyncset.s32 @!p0 $0xFFFFF086;
	s6 =	sadd.s32 @!p0 s3, s7;
	s7 =	simm.s32 @!p0 $0x108  }
0x21: {  	s3 =	sadd.s32 s3, s9;
	s6 =	sadd.s32 @!p0 $0x88, s6;
	s7 =	simm.s32 @p2 $0x1082  }
0x22: {  	[simem:s7], [sflag:s8] =	dma.local @!p0 [hbm:s6], $0xF7A  }
0x23: {  	s9 =	sor.u32 $0xD0000000, s2;
	s6 =	simm.s32 $0x108;
	_ =	swait.ge @!p0 [sflag:s8], $0x0  }
0x24: {  	s3 =	sadd.s32 $0x88, s3;
	s6 =	simm.s32 @!p1 $0x1082;
	[sflag:s4] =	ssyncset.s32 $0xFFFFF086  }
0x25: {  	[simem:s6], [sflag:s4] =	dma.local [hbm:s3], $0xF7A  }
0x26: {  	[smem:$0x3F9F] =	sst s1;
	(tag) =	ssettag s2;
	_ =	strace s9  }
0x27: {  	s1 =	sld [smem:$0x3FAF]  }
0x28: {  	s2 =	sld [smem:$0x3FB0]  }
0x29: {  	s4 =	sld [smem:$0x3FB2]  }
0x2a: {  	p0 =	seq.s32 s5, $0x0;
	s5 =	sld [smem:$0x3FB3]  }
0x2b: {  	s6 =	sld [smem:$0x3FB4]  }
0x2c: {  	s7 =	sld [smem:$0x3FB5]  }
0x2d: {  	s3 =	simm.s32 $0x108;
	s8 =	sld [smem:$0x3FB6]  }
0x2e: {  	s3 =	simm.s32 @!p0 $0x1082;
	s9 =	sld [smem:$0x3FB7]  }
0x2f: {  	lr =	sadd.s32 s0, s3;
	s0 =	sld [smem:$0x3FAE]  }
0x30: {  	s3 =	sld [smem:$0x3FB1]  }
0x31: {  	[smem:$0x3FBA] =	sst s10  }
0x32: {  	s10 =	sld [smem:$0x3FB8];
	_ =	sdelay $0x3  }
0x33: {  	p0 =	seq.s32 s10, $0x1;
	s10 =	sld [smem:$0x3FBA];
	_ =	sdelay $0x3  }
0x34: {  	[smem:$0x3FBA] =	sst s10  }
0x35: {  	s10 =	sld [smem:$0x3FB9];
	_ =	sdelay $0x3  }
0x36: {  	p1 =	seq.s32 s10, $0x1;
	s10 =	sld [smem:$0x3FBA];
	_ =	sdelay $0x3  }
0x37: {  	[smem:$0x3FBA] =	sst s10  }
0x38: {  	s10 =	sld [smem:$0x3FBB]  }
0x39: {  	_ = 	snop;
	(pc) =	sbr.ind lr, $3  }
0x3a: {  	_ = 	snop  }
0x3b: {  	_ = 	snop  }
0x3c: {  	p2 =	seq.s32 s10, $0x1;
	s10 =	sld [smem:$0x3FBA]  }
0x3d: {  	_ =	shalt  }
0x3e: {  	_ =	shalt  }
0x3f: {  	_ =	shalt  }
0x40: {  	_ =	shalt  }
0x41: {  	_ =	shalt  }
0x42: {  	_ =	shalt  }
0x43: {  	_ =	shalt  }
0x44: {  	_ =	shalt  }
0x45: {  	_ =	shalt  }
0x46: {  	_ =	shalt  }
0x47: {  	_ =	shalt  }
0x48: {  	_ =	shalt  }
0x49: {  	_ =	shalt  }
0x4a: {  	_ =	shalt  }
0x4b: {  	_ =	shalt  }
0x4c: {  	_ =	shalt  }
0x4d: {  	_ =	shalt  }
0x4e: {  	_ =	shalt  }
0x4f: {  	_ =	shalt  }
0x50: {  	_ =	shalt  }
0x51: {  	_ =	shalt  }
0x52: {  	_ =	shalt  }
0x53: {  	_ =	shalt  }
0x54: {  	_ =	shalt  }
0x55: {  	_ =	shalt  }
0x56: {  	_ =	shalt  }
0x57: {  	_ =	shalt  }
0x58: {  	_ =	shalt  }
0x59: {  	_ =	shalt  }
0x5a: {  	_ =	shalt  }
0x5b: {  	_ =	shalt  }
0x5c: {  	_ =	shalt  }
0x5d: {  	_ =	shalt  }
0x5e: {  	_ =	shalt  }
0x5f: {  	_ =	shalt  }
0x60: {  	_ =	shalt  }
0x61: {  	_ =	shalt  }
0x62: {  	_ =	shalt  }
0x63: {  	_ =	shalt  }
0x64: {  	_ =	shalt  }
0x65: {  	_ =	shalt  }
0x66: {  	_ =	shalt  }
0x67: {  	_ =	shalt  }
0x68: {  	_ =	shalt  }
0x69: {  	_ =	shalt  }
0x6a: {  	_ =	shalt  }
0x6b: {  	_ =	shalt  }
0x6c: {  	_ =	shalt  }
0x6d: {  	_ =	shalt  }
0x6e: {  	_ =	shalt  }
0x6f: {  	_ =	shalt  }
0x70: {  	_ =	shalt  }
0x71: {  	_ =	shalt  }
0x72: {  	_ =	shalt  }
0x73: {  	_ =	shalt  }
0x74: {  	_ =	shalt  }
0x75: {  	_ =	shalt  }
0x76: {  	_ =	shalt  }
0x77: {  	_ =	shalt  }
0x78: {  	_ =	shalt  }
0x79: {  	_ =	shalt  }
0x7a: {  	_ =	shalt  }
0x7b: {  	_ =	shalt  }
0x7c: {  	_ =	shalt  }
0x7d: {  	_ =	shalt  }
0x7e: {  	_ =	shalt  }
0x7f: {  	_ =	shalt  }
0x80: {  	_ =	shalt  }
0x81: {  	_ =	shalt  }
0x82: {  	_ =	shalt  }
0x83: {  	_ =	shalt  }
0x84: {  	_ =	shalt  }
0x85: {  	_ =	shalt  }
0x86: {  	_ =	shalt  }
0x87: {  	_ =	shalt  }
.Lfunc_end0:
.L_simem_size_0:
called_computation_lowered:
.L_overlay_start_0:
0x88: {  	s2 =	sld [smem:$0x3FD9]  }
0x89: {  	s3 =	sld [smem:$0x3FFE];
	_ =	sdelay $0x1  }
0x8a: {  	s1 =	srdreg.scid  }
0x8b: {  	s0 =	sand.u32 $0x1, s1  }
0x8c: {  	s17 =	sshll.u32 s0, $0xA;
	s2 =	sadd.s32 s3, s2  }
0x8d: {  	s2 =	sadd.s32 s2, s17  }
0x8e: {  	[smem:$0x3FC6] =	sst s2  }
0x8f: {  	_ = 	snop  }
0x90: {  	s2 =	sld [smem:$0x3FC9];
	(tm) =	ssettm $0x1  }
0x91: {  	s18 =	sld [smem:$0x3FFB];
	_ =	sdelay $0x3  }
0x92: {  	_ =	strace s18  }
0x93: {  	s3 =	sld [smem:$0x3FFC];
	_ =	sdelay $0x3  }
0x94: {  	_ =	strace s3  }
0x95: {  	s3 =	sld [smem:$0x3FFD];
	_ =	sdelay $0x3  }
0x96: {  	_ =	strace s3  }
0x97: {  	_ =	strace $0x8FFFFFFF  }
0x98: {  	s19 =	sld [smem:$0x3FDB];
	_ =	sdelay $0x1  }
0x99: {  	s4 =	simm.s32 $_scs_section_size  }
0x9a: {  	s5 =	simm.s32 $_size__tile_overlayer_lowered;
	s6 =	simm.s32 $_tile_overlayer_lowered  }
0x9b: {  	s22 =	simm.s32 $0x1BFF;
	s21 =	sshll.u32 s6, $0x1;
	s3 =	sadd.s32 s4, s19  }
0x9c: {  	s7 =	simm.s32 $0x0;
	s20 =	sshll.u32 s5, $0x1;
	s5 =	sadd.s32 s21, s3  }
0x9d: {  	[timem:s7], [sflag:s22] =	dma.local [hbm:s5], s20  }
0x9e: {  	_ =	swait.ge [sflag:s22], s20  }
0x9f: {  	s4 =	ssub.s32 $0x0, s20;
	[sflag:s22] =	ssyncset.done $0x0  }
0xa0: {  	[sflag:s22] =	ssyncadd.s32 s4;
	_ =	sdelay $0x1  }
0xa1: {  	s23 =	simm.s32 $0x1B8B  }
0xa2: {  	_ =	swait.ge [sflag:s23], $0x1  }
0xa3: {  	[sflag:s23] =	ssyncset.done $0x0  }
0xa4: {  	s25 =	simm.s32 $0x1B8E;
	s24 =	sld [smem:$0x3FFE];
	[sflag:s23] =	ssyncadd.s32 $0xFFFFFFFF  }
0xa5: {  	s26 =	simm.s32 $execute0_lowered;
	[smem:$0x3FD2] =	sst s25  }
0xa6: {  	s5 =	sshll.u32 s26, $0x1;
	_ =	strace $0x80000046;
	[dreg:$0x1] =	wrdreg $0xFFFFFFFF  }
0xa7: {  	s28 =	simm.s32 $_size_execute0_lowered;
	s3 =	sadd.s32 s3, s5;
	[dreg:$0x0] =	wrdreg $0x0  }
0xa8: {  	s5 =	sshll.u32 s28, $0x1;
	[dreg:$0x2] =	wrdreg s3  }
0xa9: {  	[dreg:$0x3] =	wrdreg s5  }
0xaa: {  	[dreg:$0x4] =	wrdreg $0xC0  }
0xab: {  	_ =	task [dreg:s7], $0x5FFFF  }
0xac: {  	[dreg:$0x1] =	wrdreg $0xFFFFFFFF  }
0xad: {  	[dreg:$0x0] =	wrdreg $0x60  }
0xae: {  	[dreg:$0x2] =	wrdreg s2  }
0xaf: {  	[dreg:$0x3] =	wrdreg s24  }
0xb0: {  	[dreg:$0x4] =	wrdreg $0x9  }
0xb1: {  	_ =	task.clear_ibuf [dreg:s7], $0x5FFFF;
	_ =	strace $0x90000046  }
0xb2: {  	s29 =	simm.s32 $0x9;
	_ =	strace $0x80000048  }
0xb3: {  	_ =	swait.ge [sflag:s29], $0x1  }
0xb4: {  	[sflag:s29] =	ssyncadd.s32 $0xFFFFFFFF  }
0xb5: {  	_ =	strace $0x90000048  }
0xb6: {  	_ =	sfence  }
0xb7: {  	s30 =	sld [smem:$0x0];
	_ =	sdelay $0x2  }
0xb8: {  	s31 =	sshll.u32 s1, $0xD;
	s1 =	sshrl.u32 s1, $0x2  }
0xb9: {  	s3 =	sand.u32 $0x4000, s31;
	s1 =	sadd.s32 s1, s30  }
0xba: {  	s0 =	sor.u32 s3, s0;
	s1 =	sshll.u32 s1, $0x11  }
0xbb: {  	s0 =	sor.u32 s1, s0  }
0xbc: {  	s0 =	sadd.s32 $0x8F2B, s0  }
0xbd: {  	[sflag:s0] =	ssyncadd.remote.s32 $0x1  }
0xbe: {  	_ =	sfence.sel $0xFFFF  }
0xbf: {  	[dreg:$0x0] =	wrdreg $0xFFFFFFFF;
	(pc) =	sbr.abs _section_cstart, $3  }
0xc0: {  	[dreg:$0x1] =	wrdreg $0xFFFFFFFF  }
0xc1: {  	_ =	task.clear_ibuf [dreg:s7], $0x2FFFF;
	_ =	strace $0x9FFFFFFF  }
0xc2: {  	(tm) =	ssettm $0x7FFFFFFF  }
0xc3: {  	_ =	shalt  }
tec
execute0_lowered:
.L_overlay_start_1:
0x0: {  	(tag) =	ssettag $0x1  }
0x1: {  	s0 =	srdreg.scid;
	s1 =	rddreg [dreg:$0x0]  }
0x2: {  	s4 =	rddreg [dreg:$0x1];
	s5 =	stileid.u32;
	s2 =	simm.s32 $0x0  }
0x3: {  	s17 =	simm.s32 $0x8;
	s18 =	simm.s32 $0x80;
	s22 =	simm.s32 $0x10080  }
0x4: {  	s23 =	simm.s32 $0x1;
	s24 =	simm.s32 $0x14080;
	s0 =	sand.u32 $0x1, s0  }
0x5: {  	s25 =	simm.s32 $0x2;
	s28 =	simm.s32 $0x3;
	s3 =	sshll.u32 s0, $0x4  }
0x6: {  	s29 =	simm.s32 $0x6;
	s30 =	simm.s32 $0x4;
	s3 =	sor.u32 s5, s3  }
0x7: {  	[smem:$0x7FF] =	sst s2;
	s0 =	ssub.s32 $0x2, s0;
	s5 =	smul.u32 $0x18000, s3  }
0x8: {  	s31 =	simm.s32 $0x7;
	_ =	strace $0x80000047;
	s26 =	sshrl.u32 s0, $0x1  }
0x9: {  	s3 =	sadd.s32 $0x600, s4;
	s0 =	ssub.s32 s0, s26;
	s5 =	sshrl.u32 s5, $0x3  }
0xa: {  	s26 =	simm.s32 $0x18080;
	s16 =	smax.u32 s0, $0x1;
	s1 =	sadd.s32 s1, s5  }
0xb: {  	s0 =	simm.s32 $0x5;
	s15 =	sadd.s32 s5, s4;
	s4 =	sadd.s32 $0xA0000, s1  }
0xc: {  	s5 =	sadd.s32 $0xA0800, s1;
	s6 =	sadd.s32 $0xA1000, s1;
	s7 =	sadd.s32 $0xA1800, s1  }
0xd: {  	s8 =	sadd.s32 $0xA2000, s1;
	s9 =	sadd.s32 $0x800, s15;
	s10 =	sadd.s32 $0xA2800, s1  }
0xe: {  	s11 =	sadd.s32 $0x1000, s15;
	s12 =	sadd.s32 $0x1800, s15;
	s13 =	sadd.s32 $0x2000, s15  }
0xf: {  	s14 =	sadd.s32 $0x2800, s15;
	s15 =	sadd.s32 $0x3000, s15;
	s1 =	simm.s32 $0x0  }
.LBB2_1:
0x10: {  	[tilespmem:s2], [sflag:$0x8] =	stream.linear.gather [hbm4b:s3+s2], $0x80, $0x38;
	[tilespmem:$0x1C080] =	vst v63  }
0x11: {  	_ =	swait.ge [sflag:s17], $0x80  }
0x12: {  	[sflag:s17] =	ssyncset.done $0x0  }
0x13: {  	[sflag:s17] =	ssyncadd.s32 $0xFFFFFF80  }
0x14: {  	v0 =	vld [tilespmem:$0x0];
	[tilespmem:s18], [sflag:$0x1] =	stream.linear.gather [hbm4b:s4+s2], $0x4000, $0x38  }
0x15: {  	s19 =	simm.s32 $0x4080  }
0x16: {  	[tilespmem:s19], [sflag:$0x2] =	stream.linear.gather [hbm4b:s5+s2], $0x4000, $0x38;
	[tilespmem:$0x1C080] =	vst v63  }
0x17: {  	s20 =	simm.s32 $0x8080  }
0x18: {  	[tilespmem:s20], [sflag:$0x3] =	stream.linear.gather [hbm4b:s6+s2], $0x4000, $0x38;
	[tilespmem:$0x1C080] =	vst v63  }
0x19: {  	s21 =	simm.s32 $0xC080  }
0x1a: {  	[tilespmem:s21], [sflag:$0x4] =	stream.linear.gather [hbm4b:s7+s2], $0x4000, $0x38;
	[tilespmem:$0x1C080] =	vst v63  }
0x1b: {  	_ = 	snop  }
0x1c: {  	[tilespmem:s22], [sflag:$0x5] =	stream.linear.gather [hbm4b:s8+s2], $0x4000, $0x38;
	[tilespmem:$0x1C080] =	vst v63  }
0x1d: {  	_ =	swait.ge [sflag:s23], $0x4000  }
0x1e: {  	[sflag:s23] =	ssyncset.done $0x0  }
0x1f: {  	s21 =	simm.s32 $0xC0;
	[sflag:s23] =	ssyncadd.s32 $0xFFFFC000  }
0x20: {  	v3 =	vld [tilespmem:s21+$0x30]  }
0x21: {  	v5 =	vld [tilespmem:s21+$0xFFFFFFD0]  }
0x22: {  	v7 =	vld [tilespmem:s21+$0xFFFFFFE0]  }
0x23: {  	v0 =	vmul.f32 $9.489330290e+00, v0;
	v4 =	vld [tilespmem:s21+$0xFFFFFFF0]  }
0x24: {  	v2 =	vld [tilespmem:s21+$0x0]  }
0x25: {  	v1 =	vld [tilespmem:s21+$0x10];
	v8 =	vperm.xlane v0, v3  }
0x26: {  	s19 =	simm.s32 $0x140C0;
	v3 =	vld [tilespmem:s21+$0x20];
	v6 =	vperm.xlane v0, v5  }
0x27: {  	s20 =	simm.s32 $0x0;
	v5 =	vld [tilespmem:s21+$0xFFFFFFC0];
	v7 =	vperm.xlane v0, v7;
	s21 =	simm.s32 $0x140;
	[tilespmem:s19+$0x30] =	vst v8  }
.LBB2_2:
0x28: {  	v8 =	vld [tilespmem:s21+$0x30];
	s20 =	sadd.s32 $0x8, s20;
	[tilespmem:s19+$0xFFFFFFD0] =	vst v6;
	v4 =	vperm.xlane v0, v4  }
0x29: {  	v6 =	vld [tilespmem:s21+$0xFFFFFFD0];
	p0 =	slt.u32 s20, $0x3F8;
	[tilespmem:s19+$0xFFFFFFE0] =	vst v7;
	v2 =	vperm.xlane v0, v2  }
0x2a: {  	v7 =	vld [tilespmem:s21+$0xFFFFFFE0];
	[tilespmem:s19+$0xFFFFFFF0] =	vst v4;
	v1 =	vperm.xlane v0, v1  }
.Ltmp0:
0x2b: {  	v4 =	vld [tilespmem:s21+$0xFFFFFFF0];
	[tilespmem:s19+$0x0] =	vst v2;
	v3 =	vperm.xlane v0, v3;
	(pc) =	sbr.rel @p0 .LBB2_2-.Ltmp0, $4  }
0x2c: {  	v2 =	vld [tilespmem:s21+$0x0];
	v5 =	vperm.xlane v0, v5;
	[tilespmem:s19+$0x10] =	vst v1  }
0x2d: {  	v1 =	vld [tilespmem:s21+$0x10];
	v8 =	vperm.xlane v0, v8;
	[tilespmem:s19+$0x20] =	vst v3  }
0x2e: {  	v6 =	vperm.xlane v0, v6;
	v3 =	vld [tilespmem:s21+$0x20];
	[tilespmem:s19+$0xFFFFFFC0] =	vst v5;
	s19 =	sadd.s32 $0x80, s19  }
0x2f: {  	v5 =	vld [tilespmem:s21+$0xFFFFFFC0];
	v7 =	vperm.xlane v0, v7;
	[tilespmem:s19+$0x30] =	vst v8;
	s21 =	sadd.s32 $0x80, s21  }
0x30: {  	[tilespmem:s19+$0xFFFFFFD0] =	vst v6;
	v4 =	vperm.xlane v0, v4  }
0x31: {  	[tilespmem:s19+$0xFFFFFFE0] =	vst v7;
	v2 =	vperm.xlane v0, v2  }
0x32: {  	[tilespmem:s19+$0xFFFFFFF0] =	vst v4;
	v1 =	vperm.xlane v0, v1  }
0x33: {  	[tilespmem:s19+$0x0] =	vst v2;
	v2 =	vperm.xlane v0, v3  }
0x34: {  	v3 =	vperm.xlane v0, v5;
	[tilespmem:s19+$0x10] =	vst v1  }
0x35: {  	[tilespmem:s19+$0x20] =	vst v2  }
0x36: {  	[tilespmem:s19+$0xFFFFFFC0] =	vst v3  }
0x37: {  	[hbm4b:s9+s2] =	stream.linear.scatter [tilespmem:s24], [sflag:$0x6], $0x4000, $0x38;
	[tilespmem:$0x1C080] =	vst v63  }
0x38: {  	_ = 	snop  }
0x39: {  	[tilespmem:s18], [sflag:$0x1] =	stream.linear.gather [hbm4b:s10+s2], $0x4000, $0x38;
	[tilespmem:$0x1C080] =	vst v63  }
0x3a: {  	_ =	swait.ge [sflag:s25], $0x4000  }
0x3b: {  	[sflag:s25] =	ssyncset.done $0x0  }
0x3c: {  	s21 =	simm.s32 $0x40C0;
	[sflag:s25] =	ssyncadd.s32 $0xFFFFC000  }
0x3d: {  	v3 =	vld [tilespmem:s21+$0x30]  }
0x3e: {  	v5 =	vld [tilespmem:s21+$0xFFFFFFD0]  }
0x3f: {  	v7 =	vld [tilespmem:s21+$0xFFFFFFE0]  }
0x40: {  	v4 =	vld [tilespmem:s21+$0xFFFFFFF0]  }
0x41: {  	v2 =	vld [tilespmem:s21+$0x0]  }
0x42: {  	v1 =	vld [tilespmem:s21+$0x10];
	v8 =	vperm.xlane v0, v3  }
0x43: {  	s19 =	simm.s32 $0x180C0;
	v3 =	vld [tilespmem:s21+$0x20];
	v6 =	vperm.xlane v0, v5  }
0x44: {  	s20 =	simm.s32 $0x0;
	v5 =	vld [tilespmem:s21+$0xFFFFFFC0];
	v7 =	vperm.xlane v0, v7;
	s21 =	simm.s32 $0x4140;
	[tilespmem:s19+$0x30] =	vst v8  }
.LBB2_4:
0x45: {  	v8 =	vld [tilespmem:s21+$0x30];
	s20 =	sadd.s32 $0x8, s20;
	[tilespmem:s19+$0xFFFFFFD0] =	vst v6;
	v4 =	vperm.xlane v0, v4  }
0x46: {  	v6 =	vld [tilespmem:s21+$0xFFFFFFD0];
	p0 =	slt.u32 s20, $0x3F8;
	[tilespmem:s19+$0xFFFFFFE0] =	vst v7;
	v2 =	vperm.xlane v0, v2  }
0x47: {  	v7 =	vld [tilespmem:s21+$0xFFFFFFE0];
	[tilespmem:s19+$0xFFFFFFF0] =	vst v4;
	v1 =	vperm.xlane v0, v1  }
.Ltmp1:
0x48: {  	v4 =	vld [tilespmem:s21+$0xFFFFFFF0];
	[tilespmem:s19+$0x0] =	vst v2;
	v3 =	vperm.xlane v0, v3;
	(pc) =	sbr.rel @p0 .LBB2_4-.Ltmp1, $4  }
0x49: {  	v2 =	vld [tilespmem:s21+$0x0];
	v5 =	vperm.xlane v0, v5;
	[tilespmem:s19+$0x10] =	vst v1  }
0x4a: {  	v1 =	vld [tilespmem:s21+$0x10];
	v8 =	vperm.xlane v0, v8;
	[tilespmem:s19+$0x20] =	vst v3  }
0x4b: {  	v6 =	vperm.xlane v0, v6;
	v3 =	vld [tilespmem:s21+$0x20];
	[tilespmem:s19+$0xFFFFFFC0] =	vst v5;
	s19 =	sadd.s32 $0x80, s19  }
0x4c: {  	v5 =	vld [tilespmem:s21+$0xFFFFFFC0];
	v7 =	vperm.xlane v0, v7;
	[tilespmem:s19+$0x30] =	vst v8;
	s21 =	sadd.s32 $0x80, s21  }
0x4d: {  	[tilespmem:s19+$0xFFFFFFD0] =	vst v6;
	v4 =	vperm.xlane v0, v4  }
0x4e: {  	[tilespmem:s19+$0xFFFFFFE0] =	vst v7;
	v2 =	vperm.xlane v0, v2  }
0x4f: {  	[tilespmem:s19+$0xFFFFFFF0] =	vst v4;
	v1 =	vperm.xlane v0, v1  }
0x50: {  	[tilespmem:s19+$0x0] =	vst v2;
	v2 =	vperm.xlane v0, v3  }
0x51: {  	v3 =	vperm.xlane v0, v5;
	[tilespmem:s19+$0x10] =	vst v1  }
0x52: {  	[tilespmem:s19+$0x20] =	vst v2  }
0x53: {  	[tilespmem:s19+$0xFFFFFFC0] =	vst v3  }
0x54: {  	[hbm4b:s11+s2] =	stream.linear.scatter [tilespmem:s26], [sflag:$0x7], $0x4000, $0x38;
	[tilespmem:$0x1C080] =	vst v63  }
0x55: {  	_ =	swait.ge [sflag:s28], $0x4000  }
0x56: {  	[sflag:s28] =	ssyncset.done $0x0  }
0x57: {  	[sflag:s28] =	ssyncadd.s32 $0xFFFFC000  }
0x58: {  	_ =	swait.ge [sflag:s29], $0x4000  }
0x59: {  	[sflag:s29] =	ssyncset.done $0x0  }
0x5a: {  	s21 =	simm.s32 $0x80C0;
	[sflag:s29] =	ssyncadd.s32 $0xFFFFC000  }
0x5b: {  	v3 =	vld [tilespmem:s21+$0x30]  }
0x5c: {  	v5 =	vld [tilespmem:s21+$0xFFFFFFD0]  }
0x5d: {  	v7 =	vld [tilespmem:s21+$0xFFFFFFE0]  }
0x5e: {  	v4 =	vld [tilespmem:s21+$0xFFFFFFF0]  }
0x5f: {  	v2 =	vld [tilespmem:s21+$0x0]  }
0x60: {  	v1 =	vld [tilespmem:s21+$0x10];
	v8 =	vperm.xlane v0, v3  }
0x61: {  	s19 =	simm.s32 $0x140C0;
	v3 =	vld [tilespmem:s21+$0x20];
	v6 =	vperm.xlane v0, v5  }
0x62: {  	s20 =	simm.s32 $0x0;
	v5 =	vld [tilespmem:s21+$0xFFFFFFC0];
	v7 =	vperm.xlane v0, v7;
	s21 =	simm.s32 $0x8140;
	[tilespmem:s19+$0x30] =	vst v8  }
.LBB2_6:
0x63: {  	v8 =	vld [tilespmem:s21+$0x30];
	s20 =	sadd.s32 $0x8, s20;
	[tilespmem:s19+$0xFFFFFFD0] =	vst v6;
	v4 =	vperm.xlane v0, v4  }
0x64: {  	v6 =	vld [tilespmem:s21+$0xFFFFFFD0];
	p0 =	slt.u32 s20, $0x3F8;
	[tilespmem:s19+$0xFFFFFFE0] =	vst v7;
	v2 =	vperm.xlane v0, v2  }
0x65: {  	v7 =	vld [tilespmem:s21+$0xFFFFFFE0];
	[tilespmem:s19+$0xFFFFFFF0] =	vst v4;
	v1 =	vperm.xlane v0, v1  }
.Ltmp2:
0x66: {  	v4 =	vld [tilespmem:s21+$0xFFFFFFF0];
	[tilespmem:s19+$0x0] =	vst v2;
	v3 =	vperm.xlane v0, v3;
	(pc) =	sbr.rel @p0 .LBB2_6-.Ltmp2, $4  }
0x67: {  	v2 =	vld [tilespmem:s21+$0x0];
	v5 =	vperm.xlane v0, v5;
	[tilespmem:s19+$0x10] =	vst v1  }
0x68: {  	v1 =	vld [tilespmem:s21+$0x10];
	v8 =	vperm.xlane v0, v8;
	[tilespmem:s19+$0x20] =	vst v3  }
0x69: {  	v6 =	vperm.xlane v0, v6;
	v3 =	vld [tilespmem:s21+$0x20];
	[tilespmem:s19+$0xFFFFFFC0] =	vst v5;
	s19 =	sadd.s32 $0x80, s19  }
0x6a: {  	v5 =	vld [tilespmem:s21+$0xFFFFFFC0];
	v7 =	vperm.xlane v0, v7;
	[tilespmem:s19+$0x30] =	vst v8;
	s21 =	sadd.s32 $0x80, s21  }
0x6b: {  	[tilespmem:s19+$0xFFFFFFD0] =	vst v6;
	v4 =	vperm.xlane v0, v4  }
0x6c: {  	[tilespmem:s19+$0xFFFFFFE0] =	vst v7;
	v2 =	vperm.xlane v0, v2  }
0x6d: {  	[tilespmem:s19+$0xFFFFFFF0] =	vst v4;
	v1 =	vperm.xlane v0, v1  }
0x6e: {  	[tilespmem:s19+$0x0] =	vst v2;
	v2 =	vperm.xlane v0, v3  }
0x6f: {  	v3 =	vperm.xlane v0, v5;
	[tilespmem:s19+$0x10] =	vst v1  }
0x70: {  	[tilespmem:s19+$0x20] =	vst v2  }
0x71: {  	[tilespmem:s19+$0xFFFFFFC0] =	vst v3  }
0x72: {  	[hbm4b:s12+s2] =	stream.linear.scatter [tilespmem:s24], [sflag:$0x6], $0x4000, $0x38;
	[tilespmem:$0x1C080] =	vst v63  }
0x73: {  	_ =	swait.ge [sflag:s30], $0x4000  }
0x74: {  	[sflag:s30] =	ssyncset.done $0x0  }
0x75: {  	[sflag:s30] =	ssyncadd.s32 $0xFFFFC000  }
0x76: {  	_ =	swait.ge [sflag:s31], $0x4000  }
0x77: {  	[sflag:s31] =	ssyncset.done $0x0  }
0x78: {  	s21 =	simm.s32 $0xC0C0;
	[sflag:s31] =	ssyncadd.s32 $0xFFFFC000  }
0x79: {  	v3 =	vld [tilespmem:s21+$0x30]  }
0x7a: {  	v5 =	vld [tilespmem:s21+$0xFFFFFFD0]  }
0x7b: {  	v7 =	vld [tilespmem:s21+$0xFFFFFFE0]  }
0x7c: {  	v4 =	vld [tilespmem:s21+$0xFFFFFFF0]  }
0x7d: {  	v2 =	vld [tilespmem:s21+$0x0]  }
0x7e: {  	v1 =	vld [tilespmem:s21+$0x10];
	v8 =	vperm.xlane v0, v3  }
0x7f: {  	s19 =	simm.s32 $0x180C0;
	v3 =	vld [tilespmem:s21+$0x20];
	v6 =	vperm.xlane v0, v5  }
0x80: {  	s20 =	simm.s32 $0x0;
	v5 =	vld [tilespmem:s21+$0xFFFFFFC0];
	v7 =	vperm.xlane v0, v7;
	s21 =	simm.s32 $0xC140;
	[tilespmem:s19+$0x30] =	vst v8  }
.LBB2_8:
0x81: {  	v8 =	vld [tilespmem:s21+$0x30];
	s20 =	sadd.s32 $0x8, s20;
	[tilespmem:s19+$0xFFFFFFD0] =	vst v6;
	v4 =	vperm.xlane v0, v4  }
0x82: {  	v6 =	vld [tilespmem:s21+$0xFFFFFFD0];
	p0 =	slt.u32 s20, $0x3F8;
	[tilespmem:s19+$0xFFFFFFE0] =	vst v7;
	v2 =	vperm.xlane v0, v2  }
0x83: {  	v7 =	vld [tilespmem:s21+$0xFFFFFFE0];
	[tilespmem:s19+$0xFFFFFFF0] =	vst v4;
	v1 =	vperm.xlane v0, v1  }
.Ltmp3:
0x84: {  	v4 =	vld [tilespmem:s21+$0xFFFFFFF0];
	[tilespmem:s19+$0x0] =	vst v2;
	v3 =	vperm.xlane v0, v3;
	(pc) =	sbr.rel @p0 .LBB2_8-.Ltmp3, $4  }
0x85: {  	v2 =	vld [tilespmem:s21+$0x0];
	v5 =	vperm.xlane v0, v5;
	[tilespmem:s19+$0x10] =	vst v1  }
0x86: {  	v1 =	vld [tilespmem:s21+$0x10];
	v8 =	vperm.xlane v0, v8;
	[tilespmem:s19+$0x20] =	vst v3  }
0x87: {  	v6 =	vperm.xlane v0, v6;
	v3 =	vld [tilespmem:s21+$0x20];
	[tilespmem:s19+$0xFFFFFFC0] =	vst v5;
	s19 =	sadd.s32 $0x80, s19  }
0x88: {  	v5 =	vld [tilespmem:s21+$0xFFFFFFC0];
	v7 =	vperm.xlane v0, v7;
	[tilespmem:s19+$0x30] =	vst v8;
	s21 =	sadd.s32 $0x80, s21  }
0x89: {  	[tilespmem:s19+$0xFFFFFFD0] =	vst v6;
	v4 =	vperm.xlane v0, v4  }
0x8a: {  	[tilespmem:s19+$0xFFFFFFE0] =	vst v7;
	v2 =	vperm.xlane v0, v2  }
0x8b: {  	[tilespmem:s19+$0xFFFFFFF0] =	vst v4;
	v1 =	vperm.xlane v0, v1  }
0x8c: {  	[tilespmem:s19+$0x0] =	vst v2;
	v2 =	vperm.xlane v0, v3  }
0x8d: {  	v3 =	vperm.xlane v0, v5;
	[tilespmem:s19+$0x10] =	vst v1  }
0x8e: {  	[tilespmem:s19+$0x20] =	vst v2  }
0x8f: {  	[tilespmem:s19+$0xFFFFFFC0] =	vst v3  }
0x90: {  	[hbm4b:s13+s2] =	stream.linear.scatter [tilespmem:s26], [sflag:$0x7], $0x4000, $0x38;
	[tilespmem:$0x1C080] =	vst v63  }
0x91: {  	_ =	swait.ge [sflag:s0], $0x4000  }
0x92: {  	[sflag:s0] =	ssyncset.done $0x0  }
0x93: {  	[sflag:s0] =	ssyncadd.s32 $0xFFFFC000  }
0x94: {  	_ =	swait.ge [sflag:s29], $0x4000  }
0x95: {  	[sflag:s29] =	ssyncset.done $0x0  }
0x96: {  	s21 =	simm.s32 $0x100C0;
	[sflag:s29] =	ssyncadd.s32 $0xFFFFC000  }
0x97: {  	v3 =	vld [tilespmem:s21+$0x30]  }
0x98: {  	v5 =	vld [tilespmem:s21+$0xFFFFFFD0]  }
0x99: {  	v7 =	vld [tilespmem:s21+$0xFFFFFFE0]  }
0x9a: {  	v4 =	vld [tilespmem:s21+$0xFFFFFFF0]  }
0x9b: {  	v2 =	vld [tilespmem:s21+$0x0]  }
0x9c: {  	v1 =	vld [tilespmem:s21+$0x10];
	v8 =	vperm.xlane v0, v3  }
0x9d: {  	s19 =	simm.s32 $0x140C0;
	v3 =	vld [tilespmem:s21+$0x20];
	v6 =	vperm.xlane v0, v5  }
0x9e: {  	s20 =	simm.s32 $0x0;
	v5 =	vld [tilespmem:s21+$0xFFFFFFC0];
	v7 =	vperm.xlane v0, v7;
	s21 =	simm.s32 $0x10140;
	[tilespmem:s19+$0x30] =	vst v8  }
.LBB2_10:
0x9f: {  	v8 =	vld [tilespmem:s21+$0x30];
	s20 =	sadd.s32 $0x8, s20;
	[tilespmem:s19+$0xFFFFFFD0] =	vst v6;
	v4 =	vperm.xlane v0, v4  }
0xa0: {  	v6 =	vld [tilespmem:s21+$0xFFFFFFD0];
	p0 =	slt.u32 s20, $0x3F8;
	[tilespmem:s19+$0xFFFFFFE0] =	vst v7;
	v2 =	vperm.xlane v0, v2  }
0xa1: {  	v7 =	vld [tilespmem:s21+$0xFFFFFFE0];
	[tilespmem:s19+$0xFFFFFFF0] =	vst v4;
	v1 =	vperm.xlane v0, v1  }
.Ltmp4:
0xa2: {  	v4 =	vld [tilespmem:s21+$0xFFFFFFF0];
	[tilespmem:s19+$0x0] =	vst v2;
	v3 =	vperm.xlane v0, v3;
	(pc) =	sbr.rel @p0 .LBB2_10-.Ltmp4, $4  }
0xa3: {  	v2 =	vld [tilespmem:s21+$0x0];
	v5 =	vperm.xlane v0, v5;
	[tilespmem:s19+$0x10] =	vst v1  }
0xa4: {  	v1 =	vld [tilespmem:s21+$0x10];
	v8 =	vperm.xlane v0, v8;
	[tilespmem:s19+$0x20] =	vst v3  }
0xa5: {  	v6 =	vperm.xlane v0, v6;
	v3 =	vld [tilespmem:s21+$0x20];
	[tilespmem:s19+$0xFFFFFFC0] =	vst v5;
	s19 =	sadd.s32 $0x80, s19  }
0xa6: {  	v5 =	vld [tilespmem:s21+$0xFFFFFFC0];
	v7 =	vperm.xlane v0, v7;
	[tilespmem:s19+$0x30] =	vst v8;
	s21 =	sadd.s32 $0x80, s21  }
0xa7: {  	[tilespmem:s19+$0xFFFFFFD0] =	vst v6;
	v4 =	vperm.xlane v0, v4  }
0xa8: {  	[tilespmem:s19+$0xFFFFFFE0] =	vst v7;
	v2 =	vperm.xlane v0, v2  }
0xa9: {  	[tilespmem:s19+$0xFFFFFFF0] =	vst v4;
	v1 =	vperm.xlane v0, v1  }
0xaa: {  	[tilespmem:s19+$0x0] =	vst v2;
	v2 =	vperm.xlane v0, v3  }
0xab: {  	v3 =	vperm.xlane v0, v5;
	[tilespmem:s19+$0x10] =	vst v1  }
0xac: {  	[tilespmem:s19+$0x20] =	vst v2  }
0xad: {  	[tilespmem:s19+$0xFFFFFFC0] =	vst v3  }
0xae: {  	[hbm4b:s14+s2] =	stream.linear.scatter [tilespmem:s24], [sflag:$0x6], $0x4000, $0x38;
	[tilespmem:$0x1C080] =	vst v63  }
0xaf: {  	_ =	swait.ge [sflag:s23], $0x4000  }
0xb0: {  	[sflag:s23] =	ssyncset.done $0x0  }
0xb1: {  	[sflag:s23] =	ssyncadd.s32 $0xFFFFC000  }
0xb2: {  	_ =	swait.ge [sflag:s31], $0x4000  }
0xb3: {  	[sflag:s31] =	ssyncset.done $0x0  }
0xb4: {  	s21 =	simm.s32 $0xC0;
	[sflag:s31] =	ssyncadd.s32 $0xFFFFC000  }
0xb5: {  	v3 =	vld [tilespmem:s21+$0x30]  }
0xb6: {  	v5 =	vld [tilespmem:s21+$0xFFFFFFD0]  }
0xb7: {  	v7 =	vld [tilespmem:s21+$0xFFFFFFE0]  }
0xb8: {  	v4 =	vld [tilespmem:s21+$0xFFFFFFF0]  }
0xb9: {  	v2 =	vld [tilespmem:s21+$0x0]  }
0xba: {  	v1 =	vld [tilespmem:s21+$0x10];
	v8 =	vperm.xlane v0, v3  }
0xbb: {  	s19 =	simm.s32 $0x180C0;
	v3 =	vld [tilespmem:s21+$0x20];
	v6 =	vperm.xlane v0, v5  }
0xbc: {  	s20 =	simm.s32 $0x0;
	v5 =	vld [tilespmem:s21+$0xFFFFFFC0];
	v7 =	vperm.xlane v0, v7;
	s21 =	simm.s32 $0x140;
	[tilespmem:s19+$0x30] =	vst v8  }
.LBB2_12:
0xbd: {  	v8 =	vld [tilespmem:s21+$0x30];
	s20 =	sadd.s32 $0x8, s20;
	[tilespmem:s19+$0xFFFFFFD0] =	vst v6;
	v4 =	vperm.xlane v0, v4  }
0xbe: {  	v6 =	vld [tilespmem:s21+$0xFFFFFFD0];
	p0 =	slt.u32 s20, $0x3F8;
	[tilespmem:s19+$0xFFFFFFE0] =	vst v7;
	v2 =	vperm.xlane v0, v2  }
0xbf: {  	v7 =	vld [tilespmem:s21+$0xFFFFFFE0];
	[tilespmem:s19+$0xFFFFFFF0] =	vst v4;
	v1 =	vperm.xlane v0, v1  }
.Ltmp5:
0xc0: {  	v4 =	vld [tilespmem:s21+$0xFFFFFFF0];
	[tilespmem:s19+$0x0] =	vst v2;
	v3 =	vperm.xlane v0, v3;
	(pc) =	sbr.rel @p0 .LBB2_12-.Ltmp5, $4  }
0xc1: {  	v2 =	vld [tilespmem:s21+$0x0];
	v5 =	vperm.xlane v0, v5;
	[tilespmem:s19+$0x10] =	vst v1  }
0xc2: {  	v1 =	vld [tilespmem:s21+$0x10];
	v8 =	vperm.xlane v0, v8;
	[tilespmem:s19+$0x20] =	vst v3  }
0xc3: {  	v6 =	vperm.xlane v0, v6;
	v3 =	vld [tilespmem:s21+$0x20];
	[tilespmem:s19+$0xFFFFFFC0] =	vst v5;
	s19 =	sadd.s32 $0x80, s19  }
0xc4: {  	v5 =	vld [tilespmem:s21+$0xFFFFFFC0];
	v7 =	vperm.xlane v0, v7;
	[tilespmem:s19+$0x30] =	vst v8;
	s21 =	sadd.s32 $0x80, s21  }
0xc5: {  	[tilespmem:s19+$0xFFFFFFD0] =	vst v6;
	v4 =	vperm.xlane v0, v4  }
0xc6: {  	[tilespmem:s19+$0xFFFFFFE0] =	vst v7;
	v2 =	vperm.xlane v0, v2  }
0xc7: {  	[tilespmem:s19+$0xFFFFFFF0] =	vst v4;
	v1 =	vperm.xlane v0, v1  }
0xc8: {  	[tilespmem:s19+$0x0] =	vst v2;
	v62 =	vperm.xlane v0, v3  }
0xc9: {  	v63 =	vperm.xlane v0, v5;
	[tilespmem:s19+$0x10] =	vst v1  }
0xca: {  	[tilespmem:s19+$0x20] =	vst v62  }
0xcb: {  	s1 =	sadd.s32 $0x1, s1;
	[tilespmem:s19+$0xFFFFFFC0] =	vst v63  }
0xcc: {  	[hbm4b:s15+s2] =	stream.linear.scatter [tilespmem:s26], [sflag:$0x7], $0x4000, $0x38;
	[tilespmem:$0x1C080] =	vst v63  }
0xcd: {  	p0 =	sne.s32 s1, s16;
	_ =	swait.ge [sflag:s31], $0x4000  }
.Ltmp6:
0xce: {  	[sflag:s31] =	ssyncset.done $0x0;
	(pc) =	sbr.rel @p0 .LBB2_1-.Ltmp6, $4  }
0xcf: {  	[sflag:s31] =	ssyncadd.s32 $0xFFFFC000  }
0xd0: {  	_ =	swait.ge [sflag:s29], $0x4000  }
0xd1: {  	[sflag:s29] =	ssyncset.done $0x0  }
0xd2: {  	[sflag:s29] =	ssyncadd.s32 $0xFFFFC000  }
0xd3: {  	_ =	sfence.sel $0x180000  }
0xd4: {  	[bflag:$0x0] =	sbarrier.arrive $0xFFFF  }
0xd5: {  	_ =	strace $0x90000047  }
0xd6: {  	s0 =	stileid.u32;
	[bflag:$0x2] =	sbarrier.arrive $0xFFFF  }
0xd7: {  	p0 =	sne.s32 s0, $0x0;
	s0 =	rddreg [dreg:$0x2]  }
0xd8: {  	s0 =	sadd.s32 @!p0 $0x100000, s0  }
0xd9: {  	[sflag:s0] =	ssyncadd.tile.s32 @!p0 $0x1;
	_ =	shalt  }
.Lfunc_end2:
_tile_overlayer_lowered:
.L_overlay_start_2:
0xda: {  	(tag) =	ssettag $0x2  }
0xdb: {  	s0 =	rddreg [dreg:$0x0];
	s2 =	stileid.u32  }
0xdc: {  	s1 =	rddreg [dreg:$0x1];
	p0 =	sne.s32 s2, $0x0  }
0xdd: {  	s3 =	rddreg [dreg:$0x2];
	[bflag:$0x3] =	sbarrier.arrive $0xFFFF;
	s2 =	simm.s32 @!p0 $0x1C08  }
0xde: {  	[timem:s3], [sflag:s2] =	dma.local @!p0 [hbm:s0], s1  }
0xdf: {  	s0 =	simm.s32 @!p0 $0x8  }
0xe0: {  	_ =	swait.ge @!p0 [sflag:s0], s1  }
0xe1: {  	s1 =	ssub.s32 @!p0 $0x0, s1;
	[sflag:s0] =	ssyncset.done @!p0 $0x0  }
0xe2: {  	[sflag:s0] =	ssyncadd.s32 @!p0 s1  }
0xe3: {  	[bflag:$0x3] =	sbarrier.arrive $0xFFFF  }
0xe4: {  	_ =	shalt  }

</sc_bundles>
